<compile_context>
chip_gen: v7x
topology: tpu7x:2x2x1
jax: 0.10.2.dev20260603
libtpu: 0.0.44.dev20260713+nightly
codegen_flags: <defaults>
</compile_context>

<pallas_src>
import dataclasses
import functools

import jax
import jax.numpy as jnp
from jax import lax
from jax.experimental import pallas as pl
from jax.experimental.pallas import tpu as pltpu
from jax.experimental.pallas import tpu_sc as plsc

_T_BLK = 512
_NW = 32
_LANES = 16


def _score_body(ll_ref, a_ref, b_ref, x_ref, wt_ref, bt_ref, g_ref, out_ref):
    z = jnp.dot(x_ref[...], wt_ref[...], preferred_element_type=jnp.float32,
                precision=lax.Precision.DEFAULT)
    proj = jnp.dot(z, bt_ref[...], preferred_element_type=jnp.float32,
                   precision=lax.Precision.DEFAULT)
    psq = proj * proj
    aff = jnp.dot(psq, g_ref[...], preferred_element_type=jnp.float32,
                  precision=lax.Precision.HIGHEST)
    lam = jnp.log(1.0 + jnp.exp(ll_ref[...]))
    aff = aff * lam
    scores = a_ref[0] * jnp.tanh(aff / b_ref[0])
    out_ref[...] = scores.T


def _make_aux_body(n_tok, n_experts):
    uniform = 1.0 / n_experts

    def body(p_ref, o_ref):
        frac = jnp.sum(p_ref[...], axis=0, keepdims=True) / n_tok
        d = frac - uniform
        o_ref[...] = jnp.sum(d * d, axis=1, keepdims=True)

    return body


def _route(scores_t, n_tok, n_experts, top_k):
    chunk = n_tok // _NW
    n_groups = chunk // _LANES
    mesh = plsc.VectorSubcoreMesh(core_axis_name="c", subcore_axis_name="s")
    cp = pltpu.CompilerParams()
    if "needs_layout_passes" in pltpu.CompilerParams.__dataclass_fields__:
        cp = dataclasses.replace(cp, needs_layout_passes=False)

    @functools.partial(
        pl.kernel,
        compiler_params=cp,
        out_type=(
            jax.ShapeDtypeStruct((n_tok, n_experts), jnp.float32),
            jax.ShapeDtypeStruct((n_tok, top_k), jnp.int32),
            jax.ShapeDtypeStruct((_NW, n_experts), jnp.float32),
        ),
        mesh=mesh,
        scratch_types=[
            pltpu.VMEM((n_experts, chunk), jnp.float32),
            pltpu.VMEM((chunk, n_experts), jnp.float32),
            pltpu.VMEM((chunk, top_k), jnp.int32),
            pltpu.VMEM((n_experts,), jnp.float32),
        ],
    )
    def route_kernel(s_hbm, w_hbm, i_hbm, p_hbm, sbuf, wbuf, ibuf, esum):
        wid = lax.axis_index("s") * 2 + lax.axis_index("c")
        base = wid * chunk
        pltpu.sync_copy(s_hbm.at[:, pl.ds(base, chunk)], sbuf)

        zero16 = jnp.zeros((_LANES,), jnp.float32)

        @pl.loop(0, chunk)
        def _zero(r):
            for c4 in range(n_experts // _LANES):
                wbuf[r, pl.ds(c4 * _LANES, _LANES)] = zero16

        @pl.loop(0, n_groups)
        def _group(g):
            col = g * _LANES
            rows = col + lax.iota(jnp.int32, _LANES)
            neg = jnp.full((_LANES,), -jnp.inf, jnp.float32)
            izero = jnp.zeros((_LANES,), jnp.int32)
            init = tuple([neg] * top_k + [izero] * top_k)

            def body(e, carry):
                vs = list(carry[:top_k])
                ii = list(carry[top_k:])
                cur_v = sbuf[e, pl.ds(col, _LANES)]
                cur_i = jnp.full((_LANES,), e, jnp.int32)
                ins = jnp.zeros((_LANES,), jnp.bool_)
                for j in range(top_k):
                    take = jnp.logical_or(ins, cur_v > vs[j])
                    nv = jnp.where(take, cur_v, vs[j])
                    ni = jnp.where(take, cur_i, ii[j])
                    cur_v = jnp.where(take, vs[j], cur_v)
                    cur_i = jnp.where(take, ii[j], cur_i)
                    vs[j] = nv
                    ii[j] = ni
                    ins = take
                return tuple(vs + ii)

            fin = lax.fori_loop(0, n_experts, body, init)
            vs = fin[:top_k]
            ii = fin[top_k:]
            m = vs[0]
            es = [jnp.exp(v - m) for v in vs]
            tot = es[0]
            for j in range(1, top_k):
                tot = tot + es[j]
            inv = 1.0 / tot
            for j in range(top_k):
                plsc.store_scatter(wbuf, [rows, ii[j]], es[j] * inv)
                plsc.store_scatter(
                    ibuf, [rows, jnp.full((_LANES,), j, jnp.int32)], ii[j])

        def csum_body(r, acc):
            return tuple(acc[c4] + wbuf[r, pl.ds(c4 * _LANES, _LANES)]
                         for c4 in range(n_experts // _LANES))

        accs = lax.fori_loop(0, chunk, csum_body,
                             tuple(zero16 for _ in range(n_experts // _LANES)))
        for c4 in range(n_experts // _LANES):
            esum[pl.ds(c4 * _LANES, _LANES)] = accs[c4]

        pltpu.sync_copy(wbuf, w_hbm.at[pl.ds(base, chunk)])
        pltpu.sync_copy(ibuf, i_hbm.at[pl.ds(base, chunk)])
        pltpu.sync_copy(esum, p_hbm.at[wid])

    return route_kernel(scores_t)


def kernel(x, W, expert_bases, log_lambda, sips_alpha, sips_beta):
    B, T, D = x.shape
    E, L, K = expert_bases.shape
    top_k = 8
    n_tok = B * T

    xf = x.reshape(n_tok, D)
    wt = W.T
    bt = expert_bases.transpose(1, 0, 2).reshape(L, E * K)
    gmat = jnp.repeat(jnp.eye(E, dtype=jnp.float32), K, axis=0)
    ll2 = log_lambda.reshape(1, E)

    scores_t = pl.pallas_call(
        _score_body,
        grid=(n_tok // _T_BLK,),
        in_specs=[
            pl.BlockSpec((1, E), lambda i: (0, 0)),
            pl.BlockSpec(memory_space=pltpu.SMEM),
            pl.BlockSpec(memory_space=pltpu.SMEM),
            pl.BlockSpec((_T_BLK, D), lambda i: (i, 0)),
            pl.BlockSpec((D, L), lambda i: (0, 0)),
            pl.BlockSpec((L, E * K), lambda i: (0, 0)),
            pl.BlockSpec((E * K, E), lambda i: (0, 0)),
        ],
        out_specs=pl.BlockSpec((E, _T_BLK), lambda i: (0, i)),
        out_shape=jax.ShapeDtypeStruct((E, n_tok), jnp.float32),
    )(ll2, sips_alpha, sips_beta, xf, wt, bt, gmat)

    wflat, iflat, parts = _route(scores_t, n_tok, E, top_k)

    aux_arr = pl.pallas_call(
        _make_aux_body(n_tok, E),
        in_specs=[pl.BlockSpec((_NW, E), lambda: (0, 0))],
        out_specs=pl.BlockSpec((1, 1), lambda: (0, 0)),
        out_shape=jax.ShapeDtypeStruct((1, 1), jnp.float32),
    )(parts)

    return (wflat.reshape(B, T, E),
            iflat.reshape(B, T, top_k),
            aux_arr.reshape(()))

# --- scband reference (transcript-rebuilt; emitter-appended) ---
"""Pipeline reference for scband-grassmannian-router-76055280878198 (READ-ONLY COPY).

The authoritative reference and input builder live on the scoring server;
editing this copy changes nothing except your own understanding.
"""

import jax, jax.numpy as jnp
import numpy as np

D_MODEL = 2048
N_EXPERTS = 64
SUBSPACE_DIM = 8
TOP_K = 8
LATENT_DIM = 64
B, T = 4, 2048


def setup_inputs(seed: int = 0) -> dict:
    key = jax.random.key(seed)
    k1, k2, k3 = jax.random.split(key, 3)
    x = jax.random.normal(k1, (B, T, D_MODEL), dtype=jnp.float32)
    # proj weight (orthogonal-ish init approximated by scaled normal)
    W = jax.random.normal(k2, (LATENT_DIM, D_MODEL), dtype=jnp.float32) / np.sqrt(D_MODEL)
    # expert subspace bases on Gr(k, latent_dim)
    expert_bases = jax.random.normal(k3, (N_EXPERTS, LATENT_DIM, SUBSPACE_DIM), dtype=jnp.float32) / np.sqrt(LATENT_DIM)
    log_lambda = jnp.zeros((N_EXPERTS,), dtype=jnp.float32)
    sips_alpha = jnp.ones((1,), dtype=jnp.float32)
    sips_beta = jnp.ones((1,), dtype=jnp.float32) * 2.0
    return {"x": x, "W": W, "expert_bases": expert_bases, "log_lambda": log_lambda, "sips_alpha": sips_alpha, "sips_beta": sips_beta}


def reference(x, W, expert_bases, log_lambda, sips_alpha, sips_beta):
    Bc, Tc, _ = x.shape
    E = expert_bases.shape[0]
    z = x @ W.T  # (B, T, latent)
    projections = jnp.einsum('btd,edk->btek', z, expert_bases)
    affinity = jnp.sum(projections ** 2, axis=-1)  # (B, T, E)
    lam = jax.nn.softplus(log_lambda)
    affinity = affinity * lam[None, None, :]
    scores = sips_alpha * jnp.tanh(affinity / sips_beta)
    topk_vals, topk_idx = jax.lax.top_k(scores, TOP_K)
    topk_weights = jax.nn.softmax(topk_vals, axis=-1)
    bi = jnp.arange(Bc)[:, None, None]
    ti = jnp.arange(Tc)[None, :, None]
    weights = jnp.zeros((Bc, Tc, E), dtype=x.dtype).at[bi, ti, topk_idx].set(topk_weights)
    expert_frac = jax.lax.stop_gradient(weights.sum(axis=(0, 1)) / (Bc * Tc))
    uniform = jnp.ones_like(expert_frac) / E
    aux_loss = jnp.mean((expert_frac - uniform) ** 2) * E
    return (weights, topk_idx, aux_loss)

if __name__ == "__main__":
    import jax
    _d = setup_inputs()
    print(jax.jit(kernel)(*tuple(_d.values())))

</pallas_src>

<mosaic_0001>
#map = affine_map<(d0, d1) -> (0, 0)>
module attributes {stable_mosaic.version = 14 : i64} {
  func.func @route_kernel(%arg0: i32, %arg1: i32, %arg2: memref<64x8192xf32, #tpu.memory_space<hbm>>, %arg3: memref<8192x64xf32, #tpu.memory_space<hbm>>, %arg4: memref<8192x8xi32, #tpu.memory_space<hbm>>, %arg5: memref<32x64xf32, #tpu.memory_space<hbm>>, %arg6: memref<64x256xf32, #tpu.memory_space<vmem>>, %arg7: memref<256x64xf32, #tpu.memory_space<vmem>>, %arg8: memref<256x8xi32, #tpu.memory_space<vmem>>, %arg9: memref<64xf32, #tpu.memory_space<vmem>>) attributes {dimension_semantics = [#tpu.dimension_semantics<core_parallel>, #tpu.dimension_semantics<subcore_parallel>], iteration_bounds = array<i64: 2, 16>, scalar_prefetch = 0 : i64, scratch_operands = 4 : i64, tpu.core_type = #tpu.core_type<sc_vector_subcore>, window_params = [{transform_indices = #map}, {transform_indices = #map}, {transform_indices = #map}, {transform_indices = #map}]} {
    %mul3A = arith.constant 2 : i32
    %mul3A_0 = arith.muli %arg1, %mul3A : i32
    %add3A = arith.addi %mul3A_0, %arg0 : i32
    %mul3A_1 = arith.constant 256 : i32
    %mul3A_2 = arith.muli %add3A, %mul3A_1 : i32
    "tpu.region"() ({
      %run_scoped3A = tpu.sem_alloc : memref<!tpu.dma_semaphore, #tpu.memory_space<semaphore_mem>>
      %dma_start3A = arith.constant 0 : i32
      %dma_start3A_26 = tpu.memref_slice %arg2[%dma_start3A, %mul3A_2] : memref<64x8192xf32, #tpu.memory_space<hbm>> -> memref<64x256xf32, #tpu.memory_space<hbm>>
      %dma_start3A_27 = arith.constant 0 : i32
      %dma_start3A_28 = tpu.memref_slice %arg2[%dma_start3A_27, %mul3A_2] : memref<64x8192xf32, #tpu.memory_space<hbm>> -> memref<64x256xf32, #tpu.memory_space<hbm>>
      tpu.enqueue_dma source(%dma_start3A_28 : memref<64x256xf32, #tpu.memory_space<hbm>>) target(%arg6 : memref<64x256xf32, #tpu.memory_space<vmem>>) target_semaphore(%run_scoped3A : memref<!tpu.dma_semaphore, #tpu.memory_space<semaphore_mem>>)
      %dma_wait3A = arith.constant 0 : i32
      %dma_wait3A_29 = tpu.memref_slice %arg2[%dma_wait3A, %mul3A_2] : memref<64x8192xf32, #tpu.memory_space<hbm>> -> memref<64x256xf32, #tpu.memory_space<hbm>>
      %dma_wait3A_30 = arith.constant 0 : i32
      %dma_wait3A_31 = tpu.memref_slice %arg2[%dma_wait3A_30, %mul3A_2] : memref<64x8192xf32, #tpu.memory_space<hbm>> -> memref<64x256xf32, #tpu.memory_space<hbm>>
      tpu.wait_dma2 semaphore(%run_scoped3A : memref<!tpu.dma_semaphore, #tpu.memory_space<semaphore_mem>>) src(%dma_wait3A_31 : memref<64x256xf32, #tpu.memory_space<hbm>>) dst(%arg6 : memref<64x256xf32, #tpu.memory_space<vmem>>)
      tpu.yield
    }) : () -> ()
    %broadcast_in_dim3A = arith.constant 0.000000e+00 : f32
    %broadcast_in_dim3A_3 = vector.broadcast %broadcast_in_dim3A : f32 to vector<16xf32>
    %scan3A = arith.constant 0 : i32
    %scan3A_4 = arith.constant 256 : i32
    %scan3A_5 = arith.addi %scan3A, %scan3A_4 : i32
    %scan3A_6 = arith.constant 1 : i32
    scf.for %scan3A_26 = %scan3A to %scan3A_5 step %scan3A_6  : i32 {
      %mul3A_27 = arith.constant 1 : i32
      %mul3A_28 = arith.muli %scan3A_26, %mul3A_27 : i32
      %add3A_29 = arith.constant 0 : i32
      %add3A_30 = arith.addi %add3A_29, %mul3A_28 : i32
      %swap3A_31 = arith.index_cast %add3A_30 : i32 to index
      %swap3A_32 = arith.constant 0 : index
      %swap3A_33 = tpu.vector_load %arg7[%swap3A_31, %swap3A_32] {strides = array<i32>} : memref<256x64xf32, #tpu.memory_space<vmem>>, vector<16xf32>,
      tpu.vector_store %arg7[%swap3A_31, %swap3A_32], %broadcast_in_dim3A_3 {strides = array<i32>} : memref<256x64xf32, #tpu.memory_space<vmem>>, vector<16xf32>,
      %swap3A_34 = arith.index_cast %add3A_30 : i32 to index
      %swap3A_35 = arith.constant 16 : index
      %swap3A_36 = tpu.vector_load %arg7[%swap3A_34, %swap3A_35] {strides = array<i32>} : memref<256x64xf32, #tpu.memory_space<vmem>>, vector<16xf32>,
      tpu.vector_store %arg7[%swap3A_34, %swap3A_35], %broadcast_in_dim3A_3 {strides = array<i32>} : memref<256x64xf32, #tpu.memory_space<vmem>>, vector<16xf32>,
      %swap3A_37 = arith.index_cast %add3A_30 : i32 to index
      %swap3A_38 = arith.constant 32 : index
      %swap3A_39 = tpu.vector_load %arg7[%swap3A_37, %swap3A_38] {strides = array<i32>} : memref<256x64xf32, #tpu.memory_space<vmem>>, vector<16xf32>,
      tpu.vector_store %arg7[%swap3A_37, %swap3A_38], %broadcast_in_dim3A_3 {strides = array<i32>} : memref<256x64xf32, #tpu.memory_space<vmem>>, vector<16xf32>,
      %swap3A_40 = arith.index_cast %add3A_30 : i32 to index
      %swap3A_41 = arith.constant 48 : index
      %swap3A_42 = tpu.vector_load %arg7[%swap3A_40, %swap3A_41] {strides = array<i32>} : memref<256x64xf32, #tpu.memory_space<vmem>>, vector<16xf32>,
      tpu.vector_store %arg7[%swap3A_40, %swap3A_41], %broadcast_in_dim3A_3 {strides = array<i32>} : memref<256x64xf32, #tpu.memory_space<vmem>>, vector<16xf32>,
    }
    %scan3A_7 = arith.constant 256 : i32
    %scan3A_8 = arith.constant 0 : i32
    %scan3A_9 = arith.constant 16 : i32
    %scan3A_10 = arith.addi %scan3A_8, %scan3A_9 : i32
    %scan3A_11 = arith.constant 1 : i32
    scf.for %scan3A_26 = %scan3A_8 to %scan3A_10 step %scan3A_11  : i32 {
      %mul3A_27 = arith.constant 1 : i32
      %mul3A_28 = arith.muli %scan3A_26, %mul3A_27 : i32
      %add3A_29 = arith.constant 0 : i32
      %add3A_30 = arith.addi %add3A_29, %mul3A_28 : i32
      %mul3A_31 = arith.constant 16 : i32
      %mul3A_32 = arith.muli %add3A_30, %mul3A_31 : i32
      %iota3A = tpu.iota {dimensions = array<i32: 0>} : vector<16xi32>
      %add3A_33 = vector.broadcast %mul3A_32 : i32 to vector<16xi32>
      %add3A_34 = arith.addi %add3A_33, %iota3A : vector<16xi32>
      %broadcast_in_dim3A_35 = arith.constant 0xFF800000 : f32
      %broadcast_in_dim3A_36 = vector.broadcast %broadcast_in_dim3A_35 : f32 to vector<16xf32>
      %broadcast_in_dim3A_37 = arith.constant 0 : i32
      %broadcast_in_dim3A_38 = vector.broadcast %broadcast_in_dim3A_37 : i32 to vector<16xi32>
      %scan3A_39 = arith.constant 0 : i32
      %scan3A_40 = arith.constant 64 : i32
      %scan3A_41 = arith.addi %scan3A_39, %scan3A_40 : i32
      %scan3A_42 = arith.constant 1 : i32
      %scan3A_43:16 = scf.for %scan3A_92 = %scan3A_39 to %scan3A_41 step %scan3A_42 iter_args(%scan3A_93 = %broadcast_in_dim3A_36, %scan3A_94 = %broadcast_in_dim3A_36, %scan3A_95 = %broadcast_in_dim3A_36, %scan3A_96 = %broadcast_in_dim3A_36, %scan3A_97 = %broadcast_in_dim3A_36, %scan3A_98 = %broadcast_in_dim3A_36, %scan3A_99 = %broadcast_in_dim3A_36, %scan3A_100 = %broadcast_in_dim3A_36, %scan3A_101 = %broadcast_in_dim3A_38, %scan3A_102 = %broadcast_in_dim3A_38, %scan3A_103 = %broadcast_in_dim3A_38, %scan3A_104 = %broadcast_in_dim3A_38, %scan3A_105 = %broadcast_in_dim3A_38, %scan3A_106 = %broadcast_in_dim3A_38, %scan3A_107 = %broadcast_in_dim3A_38, %scan3A_108 = %broadcast_in_dim3A_38) -> (vector<16xf32>, vector<16xf32>, vector<16xf32>, vector<16xf32>, vector<16xf32>, vector<16xf32>, vector<16xf32>, vector<16xf32>, vector<16xi32>, vector<16xi32>, vector<16xi32>, vector<16xi32>, vector<16xi32>, vector<16xi32>, vector<16xi32>, vector<16xi32>)  : i32 {
        %get3A = arith.index_cast %scan3A_92 : i32 to index
        %get3A_109 = arith.index_cast %mul3A_32 : i32 to index
        %get3A_110 = tpu.vector_load %arg6[%get3A, %get3A_109] {strides = array<i32>} : memref<64x256xf32, #tpu.memory_space<vmem>>, vector<16xf32>,
        %broadcast_in_dim3A_111 = vector.broadcast %scan3A_92 : i32 to vector<16xi32>
        %broadcast_in_dim3A_112 = arith.constant false
        %broadcast_in_dim3A_113 = vector.broadcast %broadcast_in_dim3A_112 : i1 to vector<16xi1>
        %gt3A = arith.cmpf ogt, %get3A_110, %scan3A_93 : vector<16xf32>
        %or3A = arith.ori %broadcast_in_dim3A_113, %gt3A : vector<16xi1>
        %select_n3A = arith.select %or3A, %get3A_110, %scan3A_93 : vector<16xi1>, vector<16xf32>
        %select_n3A_114 = arith.select %or3A, %broadcast_in_dim3A_111, %scan3A_101 : vector<16xi1>, vector<16xi32>
        %select_n3A_115 = arith.select %or3A, %scan3A_93, %get3A_110 : vector<16xi1>, vector<16xf32>
        %select_n3A_116 = arith.select %or3A, %scan3A_101, %broadcast_in_dim3A_111 : vector<16xi1>, vector<16xi32>
        %gt3A_117 = arith.cmpf ogt, %select_n3A_115, %scan3A_94 : vector<16xf32>
        %or3A_118 = arith.ori %or3A, %gt3A_117 : vector<16xi1>
        %select_n3A_119 = arith.select %or3A_118, %select_n3A_115, %scan3A_94 : vector<16xi1>, vector<16xf32>
        %select_n3A_120 = arith.select %or3A_118, %select_n3A_116, %scan3A_102 : vector<16xi1>, vector<16xi32>
        %select_n3A_121 = arith.select %or3A_118, %scan3A_94, %select_n3A_115 : vector<16xi1>, vector<16xf32>
        %select_n3A_122 = arith.select %or3A_118, %scan3A_102, %select_n3A_116 : vector<16xi1>, vector<16xi32>
        %gt3A_123 = arith.cmpf ogt, %select_n3A_121, %scan3A_95 : vector<16xf32>
        %or3A_124 = arith.ori %or3A_118, %gt3A_123 : vector<16xi1>
        %select_n3A_125 = arith.select %or3A_124, %select_n3A_121, %scan3A_95 : vector<16xi1>, vector<16xf32>
        %select_n3A_126 = arith.select %or3A_124, %select_n3A_122, %scan3A_103 : vector<16xi1>, vector<16xi32>
        %select_n3A_127 = arith.select %or3A_124, %scan3A_95, %select_n3A_121 : vector<16xi1>, vector<16xf32>
        %select_n3A_128 = arith.select %or3A_124, %scan3A_103, %select_n3A_122 : vector<16xi1>, vector<16xi32>
        %gt3A_129 = arith.cmpf ogt, %select_n3A_127, %scan3A_96 : vector<16xf32>
        %or3A_130 = arith.ori %or3A_124, %gt3A_129 : vector<16xi1>
        %select_n3A_131 = arith.select %or3A_130, %select_n3A_127, %scan3A_96 : vector<16xi1>, vector<16xf32>
        %select_n3A_132 = arith.select %or3A_130, %select_n3A_128, %scan3A_104 : vector<16xi1>, vector<16xi32>
        %select_n3A_133 = arith.select %or3A_130, %scan3A_96, %select_n3A_127 : vector<16xi1>, vector<16xf32>
        %select_n3A_134 = arith.select %or3A_130, %scan3A_104, %select_n3A_128 : vector<16xi1>, vector<16xi32>
        %gt3A_135 = arith.cmpf ogt, %select_n3A_133, %scan3A_97 : vector<16xf32>
        %or3A_136 = arith.ori %or3A_130, %gt3A_135 : vector<16xi1>
        %select_n3A_137 = arith.select %or3A_136, %select_n3A_133, %scan3A_97 : vector<16xi1>, vector<16xf32>
        %select_n3A_138 = arith.select %or3A_136, %select_n3A_134, %scan3A_105 : vector<16xi1>, vector<16xi32>
        %select_n3A_139 = arith.select %or3A_136, %scan3A_97, %select_n3A_133 : vector<16xi1>, vector<16xf32>
        %select_n3A_140 = arith.select %or3A_136, %scan3A_105, %select_n3A_134 : vector<16xi1>, vector<16xi32>
        %gt3A_141 = arith.cmpf ogt, %select_n3A_139, %scan3A_98 : vector<16xf32>
        %or3A_142 = arith.ori %or3A_136, %gt3A_141 : vector<16xi1>
        %select_n3A_143 = arith.select %or3A_142, %select_n3A_139, %scan3A_98 : vector<16xi1>, vector<16xf32>
        %select_n3A_144 = arith.select %or3A_142, %select_n3A_140, %scan3A_106 : vector<16xi1>, vector<16xi32>
        %select_n3A_145 = arith.select %or3A_142, %scan3A_98, %select_n3A_139 : vector<16xi1>, vector<16xf32>
        %select_n3A_146 = arith.select %or3A_142, %scan3A_106, %select_n3A_140 : vector<16xi1>, vector<16xi32>
        %gt3A_147 = arith.cmpf ogt, %select_n3A_145, %scan3A_99 : vector<16xf32>
        %or3A_148 = arith.ori %or3A_142, %gt3A_147 : vector<16xi1>
        %select_n3A_149 = arith.select %or3A_148, %select_n3A_145, %scan3A_99 : vector<16xi1>, vector<16xf32>
        %select_n3A_150 = arith.select %or3A_148, %select_n3A_146, %scan3A_107 : vector<16xi1>, vector<16xi32>
        %select_n3A_151 = arith.select %or3A_148, %scan3A_99, %select_n3A_145 : vector<16xi1>, vector<16xf32>
        %select_n3A_152 = arith.select %or3A_148, %scan3A_107, %select_n3A_146 : vector<16xi1>, vector<16xi32>
        %gt3A_153 = arith.cmpf ogt, %select_n3A_151, %scan3A_100 : vector<16xf32>
        %or3A_154 = arith.ori %or3A_148, %gt3A_153 : vector<16xi1>
        %select_n3A_155 = arith.select %or3A_154, %select_n3A_151, %scan3A_100 : vector<16xi1>, vector<16xf32>
        %select_n3A_156 = arith.select %or3A_154, %select_n3A_152, %scan3A_108 : vector<16xi1>, vector<16xi32>
        %select_n3A_157 = arith.select %or3A_154, %scan3A_100, %select_n3A_151 : vector<16xi1>, vector<16xf32>
        %select_n3A_158 = arith.select %or3A_154, %scan3A_108, %select_n3A_152 : vector<16xi1>, vector<16xi32>
        scf.yield %select_n3A, %select_n3A_119, %select_n3A_125, %select_n3A_131, %select_n3A_137, %select_n3A_143, %select_n3A_149, %select_n3A_155, %select_n3A_114, %select_n3A_120, %select_n3A_126, %select_n3A_132, %select_n3A_138, %select_n3A_144, %select_n3A_150, %select_n3A_156 : vector<16xf32>, vector<16xf32>, vector<16xf32>, vector<16xf32>, vector<16xf32>, vector<16xf32>, vector<16xf32>, vector<16xf32>, vector<16xi32>, vector<16xi32>, vector<16xi32>, vector<16xi32>, vector<16xi32>, vector<16xi32>, vector<16xi32>, vector<16xi32>
      }
      %scan3A_44 = arith.constant 64 : i32
      %sub3A = arith.subf %scan3A_43#0, %scan3A_43#0 : vector<16xf32>
      %exp3A = math.exp %sub3A : vector<16xf32>
      %sub3A_45 = arith.subf %scan3A_43#1, %scan3A_43#0 : vector<16xf32>
      %exp3A_46 = math.exp %sub3A_45 : vector<16xf32>
      %sub3A_47 = arith.subf %scan3A_43#2, %scan3A_43#0 : vector<16xf32>
      %exp3A_48 = math.exp %sub3A_47 : vector<16xf32>
      %sub3A_49 = arith.subf %scan3A_43#3, %scan3A_43#0 : vector<16xf32>
      %exp3A_50 = math.exp %sub3A_49 : vector<16xf32>
      %sub3A_51 = arith.subf %scan3A_43#4, %scan3A_43#0 : vector<16xf32>
      %exp3A_52 = math.exp %sub3A_51 : vector<16xf32>
      %sub3A_53 = arith.subf %scan3A_43#5, %scan3A_43#0 : vector<16xf32>
      %exp3A_54 = math.exp %sub3A_53 : vector<16xf32>
      %sub3A_55 = arith.subf %scan3A_43#6, %scan3A_43#0 : vector<16xf32>
      %exp3A_56 = math.exp %sub3A_55 : vector<16xf32>
      %sub3A_57 = arith.subf %scan3A_43#7, %scan3A_43#0 : vector<16xf32>
      %exp3A_58 = math.exp %sub3A_57 : vector<16xf32>
      %add3A_59 = arith.addf %exp3A, %exp3A_46 : vector<16xf32>
      %add3A_60 = arith.addf %add3A_59, %exp3A_48 : vector<16xf32>
      %add3A_61 = arith.addf %add3A_60, %exp3A_50 : vector<16xf32>
      %add3A_62 = arith.addf %add3A_61, %exp3A_52 : vector<16xf32>
      %add3A_63 = arith.addf %add3A_62, %exp3A_54 : vector<16xf32>
      %add3A_64 = arith.addf %add3A_63, %exp3A_56 : vector<16xf32>
      %add3A_65 = arith.addf %add3A_64, %exp3A_58 : vector<16xf32>
      %div3A = arith.constant 1.000000e+00 : f32
      %div3A_66 = vector.broadcast %div3A : f32 to vector<16xf32>
      %div3A_67 = arith.divf %div3A_66, %add3A_65 : vector<16xf32>
      %mul3A_68 = arith.mulf %exp3A, %div3A_67 : vector<16xf32>
      tpu.vector_store_idx %arg7[%add3A_34, %scan3A_43#8], %mul3A_68 : memref<256x64xf32, #tpu.memory_space<vmem>>[vector<16xi32>, vector<16xi32>], vector<16xf32>,
      %broadcast_in_dim3A_69 = arith.constant 0 : i32
      %broadcast_in_dim3A_70 = vector.broadcast %broadcast_in_dim3A_69 : i32 to vector<16xi32>
      tpu.vector_store_idx %arg8[%add3A_34, %broadcast_in_dim3A_70], %scan3A_43#8 : memref<256x8xi32, #tpu.memory_space<vmem>>[vector<16xi32>, vector<16xi32>], vector<16xi32>,
      %mul3A_71 = arith.mulf %exp3A_46, %div3A_67 : vector<16xf32>
      tpu.vector_store_idx %arg7[%add3A_34, %scan3A_43#9], %mul3A_71 : memref<256x64xf32, #tpu.memory_space<vmem>>[vector<16xi32>, vector<16xi32>], vector<16xf32>,
      %broadcast_in_dim3A_72 = arith.constant 1 : i32
      %broadcast_in_dim3A_73 = vector.broadcast %broadcast_in_dim3A_72 : i32 to vector<16xi32>
      tpu.vector_store_idx %arg8[%add3A_34, %broadcast_in_dim3A_73], %scan3A_43#9 : memref<256x8xi32, #tpu.memory_space<vmem>>[vector<16xi32>, vector<16xi32>], vector<16xi32>,
      %mul3A_74 = arith.mulf %exp3A_48, %div3A_67 : vector<16xf32>
      tpu.vector_store_idx %arg7[%add3A_34, %scan3A_43#10], %mul3A_74 : memref<256x64xf32, #tpu.memory_space<vmem>>[vector<16xi32>, vector<16xi32>], vector<16xf32>,
      %broadcast_in_dim3A_75 = arith.constant 2 : i32
      %broadcast_in_dim3A_76 = vector.broadcast %broadcast_in_dim3A_75 : i32 to vector<16xi32>
      tpu.vector_store_idx %arg8[%add3A_34, %broadcast_in_dim3A_76], %scan3A_43#10 : memref<256x8xi32, #tpu.memory_space<vmem>>[vector<16xi32>, vector<16xi32>], vector<16xi32>,
      %mul3A_77 = arith.mulf %exp3A_50, %div3A_67 : vector<16xf32>
      tpu.vector_store_idx %arg7[%add3A_34, %scan3A_43#11], %mul3A_77 : memref<256x64xf32, #tpu.memory_space<vmem>>[vector<16xi32>, vector<16xi32>], vector<16xf32>,
      %broadcast_in_dim3A_78 = arith.constant 3 : i32
      %broadcast_in_dim3A_79 = vector.broadcast %broadcast_in_dim3A_78 : i32 to vector<16xi32>
      tpu.vector_store_idx %arg8[%add3A_34, %broadcast_in_dim3A_79], %scan3A_43#11 : memref<256x8xi32, #tpu.memory_space<vmem>>[vector<16xi32>, vector<16xi32>], vector<16xi32>,
      %mul3A_80 = arith.mulf %exp3A_52, %div3A_67 : vector<16xf32>
      tpu.vector_store_idx %arg7[%add3A_34, %scan3A_43#12], %mul3A_80 : memref<256x64xf32, #tpu.memory_space<vmem>>[vector<16xi32>, vector<16xi32>], vector<16xf32>,
      %broadcast_in_dim3A_81 = arith.constant 4 : i32
      %broadcast_in_dim3A_82 = vector.broadcast %broadcast_in_dim3A_81 : i32 to vector<16xi32>
      tpu.vector_store_idx %arg8[%add3A_34, %broadcast_in_dim3A_82], %scan3A_43#12 : memref<256x8xi32, #tpu.memory_space<vmem>>[vector<16xi32>, vector<16xi32>], vector<16xi32>,
      %mul3A_83 = arith.mulf %exp3A_54, %div3A_67 : vector<16xf32>
      tpu.vector_store_idx %arg7[%add3A_34, %scan3A_43#13], %mul3A_83 : memref<256x64xf32, #tpu.memory_space<vmem>>[vector<16xi32>, vector<16xi32>], vector<16xf32>,
      %broadcast_in_dim3A_84 = arith.constant 5 : i32
      %broadcast_in_dim3A_85 = vector.broadcast %broadcast_in_dim3A_84 : i32 to vector<16xi32>
      tpu.vector_store_idx %arg8[%add3A_34, %broadcast_in_dim3A_85], %scan3A_43#13 : memref<256x8xi32, #tpu.memory_space<vmem>>[vector<16xi32>, vector<16xi32>], vector<16xi32>,
      %mul3A_86 = arith.mulf %exp3A_56, %div3A_67 : vector<16xf32>
      tpu.vector_store_idx %arg7[%add3A_34, %scan3A_43#14], %mul3A_86 : memref<256x64xf32, #tpu.memory_space<vmem>>[vector<16xi32>, vector<16xi32>], vector<16xf32>,
      %broadcast_in_dim3A_87 = arith.constant 6 : i32
      %broadcast_in_dim3A_88 = vector.broadcast %broadcast_in_dim3A_87 : i32 to vector<16xi32>
      tpu.vector_store_idx %arg8[%add3A_34, %broadcast_in_dim3A_88], %scan3A_43#14 : memref<256x8xi32, #tpu.memory_space<vmem>>[vector<16xi32>, vector<16xi32>], vector<16xi32>,
      %mul3A_89 = arith.mulf %exp3A_58, %div3A_67 : vector<16xf32>
      tpu.vector_store_idx %arg7[%add3A_34, %scan3A_43#15], %mul3A_89 : memref<256x64xf32, #tpu.memory_space<vmem>>[vector<16xi32>, vector<16xi32>], vector<16xf32>,
      %broadcast_in_dim3A_90 = arith.constant 7 : i32
      %broadcast_in_dim3A_91 = vector.broadcast %broadcast_in_dim3A_90 : i32 to vector<16xi32>
      tpu.vector_store_idx %arg8[%add3A_34, %broadcast_in_dim3A_91], %scan3A_43#15 : memref<256x8xi32, #tpu.memory_space<vmem>>[vector<16xi32>, vector<16xi32>], vector<16xi32>,
    }
    %scan3A_12 = arith.constant 16 : i32
    %scan3A_13 = arith.constant 0 : i32
    %scan3A_14 = arith.constant 256 : i32
    %scan3A_15 = arith.addi %scan3A_13, %scan3A_14 : i32
    %scan3A_16 = arith.constant 1 : i32
    %scan3A_17:4 = scf.for %scan3A_26 = %scan3A_13 to %scan3A_15 step %scan3A_16 iter_args(%scan3A_27 = %broadcast_in_dim3A_3, %scan3A_28 = %broadcast_in_dim3A_3, %scan3A_29 = %broadcast_in_dim3A_3, %scan3A_30 = %broadcast_in_dim3A_3) -> (vector<16xf32>, vector<16xf32>, vector<16xf32>, vector<16xf32>)  : i32 {
      %get3A = arith.index_cast %scan3A_26 : i32 to index
      %get3A_31 = arith.constant 0 : index
      %get3A_32 = tpu.vector_load %arg7[%get3A, %get3A_31] {strides = array<i32>} : memref<256x64xf32, #tpu.memory_space<vmem>>, vector<16xf32>,
      %add3A_33 = arith.addf %scan3A_27, %get3A_32 : vector<16xf32>
      %get3A_34 = arith.index_cast %scan3A_26 : i32 to index
      %get3A_35 = arith.constant 16 : index
      %get3A_36 = tpu.vector_load %arg7[%get3A_34, %get3A_35] {strides = array<i32>} : memref<256x64xf32, #tpu.memory_space<vmem>>, vector<16xf32>,
      %add3A_37 = arith.addf %scan3A_28, %get3A_36 : vector<16xf32>
      %get3A_38 = arith.index_cast %scan3A_26 : i32 to index
      %get3A_39 = arith.constant 32 : index
      %get3A_40 = tpu.vector_load %arg7[%get3A_38, %get3A_39] {strides = array<i32>} : memref<256x64xf32, #tpu.memory_space<vmem>>, vector<16xf32>,
      %add3A_41 = arith.addf %scan3A_29, %get3A_40 : vector<16xf32>
      %get3A_42 = arith.index_cast %scan3A_26 : i32 to index
      %get3A_43 = arith.constant 48 : index
      %get3A_44 = tpu.vector_load %arg7[%get3A_42, %get3A_43] {strides = array<i32>} : memref<256x64xf32, #tpu.memory_space<vmem>>, vector<16xf32>,
      %add3A_45 = arith.addf %scan3A_30, %get3A_44 : vector<16xf32>
      scf.yield %add3A_33, %add3A_37, %add3A_41, %add3A_45 : vector<16xf32>, vector<16xf32>, vector<16xf32>, vector<16xf32>
    }
    %scan3A_18 = arith.constant 256 : i32
    %swap3A = arith.constant 0 : index
    %swap3A_19 = tpu.vector_load %arg9[%swap3A] {strides = array<i32>} : memref<64xf32, #tpu.memory_space<vmem>>, vector<16xf32>,
    tpu.vector_store %arg9[%swap3A], %scan3A_17#0 {strides = array<i32>} : memref<64xf32, #tpu.memory_space<vmem>>, vector<16xf32>,
    %swap3A_20 = arith.constant 16 : index
    %swap3A_21 = tpu.vector_load %arg9[%swap3A_20] {strides = array<i32>} : memref<64xf32, #tpu.memory_space<vmem>>, vector<16xf32>,
    tpu.vector_store %arg9[%swap3A_20], %scan3A_17#1 {strides = array<i32>} : memref<64xf32, #tpu.memory_space<vmem>>, vector<16xf32>,
    %swap3A_22 = arith.constant 32 : index
    %swap3A_23 = tpu.vector_load %arg9[%swap3A_22] {strides = array<i32>} : memref<64xf32, #tpu.memory_space<vmem>>, vector<16xf32>,
    tpu.vector_store %arg9[%swap3A_22], %scan3A_17#2 {strides = array<i32>} : memref<64xf32, #tpu.memory_space<vmem>>, vector<16xf32>,
    %swap3A_24 = arith.constant 48 : index
    %swap3A_25 = tpu.vector_load %arg9[%swap3A_24] {strides = array<i32>} : memref<64xf32, #tpu.memory_space<vmem>>, vector<16xf32>,
    tpu.vector_store %arg9[%swap3A_24], %scan3A_17#3 {strides = array<i32>} : memref<64xf32, #tpu.memory_space<vmem>>, vector<16xf32>,
    "tpu.region"() ({
      %run_scoped3A = tpu.sem_alloc : memref<!tpu.dma_semaphore, #tpu.memory_space<semaphore_mem>>
      %dma_start3A = arith.constant 0 : i32
      %dma_start3A_26 = tpu.memref_slice %arg3[%mul3A_2, %dma_start3A] : memref<8192x64xf32, #tpu.memory_space<hbm>> -> memref<256x64xf32, #tpu.memory_space<hbm>>
      %dma_start3A_27 = arith.constant 0 : i32
      %dma_start3A_28 = tpu.memref_slice %arg3[%mul3A_2, %dma_start3A_27] : memref<8192x64xf32, #tpu.memory_space<hbm>> -> memref<256x64xf32, #tpu.memory_space<hbm>>
      tpu.enqueue_dma source(%arg7 : memref<256x64xf32, #tpu.memory_space<vmem>>) target(%dma_start3A_28 : memref<256x64xf32, #tpu.memory_space<hbm>>) target_semaphore(%run_scoped3A : memref<!tpu.dma_semaphore, #tpu.memory_space<semaphore_mem>>)
      %dma_wait3A = arith.constant 0 : i32
      %dma_wait3A_29 = tpu.memref_slice %arg3[%mul3A_2, %dma_wait3A] : memref<8192x64xf32, #tpu.memory_space<hbm>> -> memref<256x64xf32, #tpu.memory_space<hbm>>
      %dma_wait3A_30 = arith.constant 0 : i32
      %dma_wait3A_31 = tpu.memref_slice %arg3[%mul3A_2, %dma_wait3A_30] : memref<8192x64xf32, #tpu.memory_space<hbm>> -> memref<256x64xf32, #tpu.memory_space<hbm>>
      tpu.wait_dma2 semaphore(%run_scoped3A : memref<!tpu.dma_semaphore, #tpu.memory_space<semaphore_mem>>) src(%arg7 : memref<256x64xf32, #tpu.memory_space<vmem>>) dst(%dma_wait3A_31 : memref<256x64xf32, #tpu.memory_space<hbm>>)
      tpu.yield
    }) : () -> ()
    "tpu.region"() ({
      %run_scoped3A = tpu.sem_alloc : memref<!tpu.dma_semaphore, #tpu.memory_space<semaphore_mem>>
      %dma_start3A = arith.constant 0 : i32
      %dma_start3A_26 = tpu.memref_slice %arg4[%mul3A_2, %dma_start3A] : memref<8192x8xi32, #tpu.memory_space<hbm>> -> memref<256x8xi32, #tpu.memory_space<hbm>>
      %dma_start3A_27 = arith.constant 0 : i32
      %dma_start3A_28 = tpu.memref_slice %arg4[%mul3A_2, %dma_start3A_27] : memref<8192x8xi32, #tpu.memory_space<hbm>> -> memref<256x8xi32, #tpu.memory_space<hbm>>
      tpu.enqueue_dma source(%arg8 : memref<256x8xi32, #tpu.memory_space<vmem>>) target(%dma_start3A_28 : memref<256x8xi32, #tpu.memory_space<hbm>>) target_semaphore(%run_scoped3A : memref<!tpu.dma_semaphore, #tpu.memory_space<semaphore_mem>>)
      %dma_wait3A = arith.constant 0 : i32
      %dma_wait3A_29 = tpu.memref_slice %arg4[%mul3A_2, %dma_wait3A] : memref<8192x8xi32, #tpu.memory_space<hbm>> -> memref<256x8xi32, #tpu.memory_space<hbm>>
      %dma_wait3A_30 = arith.constant 0 : i32
      %dma_wait3A_31 = tpu.memref_slice %arg4[%mul3A_2, %dma_wait3A_30] : memref<8192x8xi32, #tpu.memory_space<hbm>> -> memref<256x8xi32, #tpu.memory_space<hbm>>
      tpu.wait_dma2 semaphore(%run_scoped3A : memref<!tpu.dma_semaphore, #tpu.memory_space<semaphore_mem>>) src(%arg8 : memref<256x8xi32, #tpu.memory_space<vmem>>) dst(%dma_wait3A_31 : memref<256x8xi32, #tpu.memory_space<hbm>>)
      tpu.yield
    }) : () -> ()
    "tpu.region"() ({
      %run_scoped3A = tpu.sem_alloc : memref<!tpu.dma_semaphore, #tpu.memory_space<semaphore_mem>>
      %dma_start3A = arith.constant 0 : i32
      %dma_start3A_26 = tpu.memref_slice %arg5[%add3A, %dma_start3A] : memref<32x64xf32, #tpu.memory_space<hbm>> -> memref<1x64xf32, #tpu.memory_space<hbm>>
      %dma_start3A_27 = tpu.memref_squeeze %dma_start3A_26 : memref<1x64xf32, #tpu.memory_space<hbm>> -> memref<64xf32, #tpu.memory_space<hbm>>
      %dma_start3A_28 = arith.constant 0 : i32
      %dma_start3A_29 = tpu.memref_slice %arg5[%add3A, %dma_start3A_28] : memref<32x64xf32, #tpu.memory_space<hbm>> -> memref<1x64xf32, #tpu.memory_space<hbm>>
      %dma_start3A_30 = tpu.memref_squeeze %dma_start3A_29 : memref<1x64xf32, #tpu.memory_space<hbm>> -> memref<64xf32, #tpu.memory_space<hbm>>
      tpu.enqueue_dma source(%arg9 : memref<64xf32, #tpu.memory_space<vmem>>) target(%dma_start3A_30 : memref<64xf32, #tpu.memory_space<hbm>>) target_semaphore(%run_scoped3A : memref<!tpu.dma_semaphore, #tpu.memory_space<semaphore_mem>>)
      %dma_wait3A = arith.constant 0 : i32
      %dma_wait3A_31 = tpu.memref_slice %arg5[%add3A, %dma_wait3A] : memref<32x64xf32, #tpu.memory_space<hbm>> -> memref<1x64xf32, #tpu.memory_space<hbm>>
      %dma_wait3A_32 = tpu.memref_squeeze %dma_wait3A_31 : memref<1x64xf32, #tpu.memory_space<hbm>> -> memref<64xf32, #tpu.memory_space<hbm>>
      %dma_wait3A_33 = arith.constant 0 : i32
      %dma_wait3A_34 = tpu.memref_slice %arg5[%add3A, %dma_wait3A_33] : memref<32x64xf32, #tpu.memory_space<hbm>> -> memref<1x64xf32, #tpu.memory_space<hbm>>
      %dma_wait3A_35 = tpu.memref_squeeze %dma_wait3A_34 : memref<1x64xf32, #tpu.memory_space<hbm>> -> memref<64xf32, #tpu.memory_space<hbm>>
      tpu.wait_dma2 semaphore(%run_scoped3A : memref<!tpu.dma_semaphore, #tpu.memory_space<semaphore_mem>>) src(%arg9 : memref<64xf32, #tpu.memory_space<vmem>>) dst(%dma_wait3A_35 : memref<64xf32, #tpu.memory_space<hbm>>)
      tpu.yield
    }) : () -> ()
    return
  }
}

module attributes {stable_mosaic.version = 14 : i64} {
  func.func @_score_body(%arg0: i32, %arg1: memref<1x64xf32, #tpu.memory_space<vmem>>, %arg2: memref<1xf32, #tpu.memory_space<smem>>, %arg3: memref<1xf32, #tpu.memory_space<smem>>, %arg4: memref<512x2048xf32, #tpu.memory_space<vmem>>, %arg5: memref<2048x64xf32, #tpu.memory_space<vmem>>, %arg6: memref<64x512xf32, #tpu.memory_space<vmem>>, %arg7: memref<512x64xf32, #tpu.memory_space<vmem>>, %arg8: memref<64x512xf32, #tpu.memory_space<vmem>>) attributes {dimension_semantics = [#tpu.dimension_semantics<arbitrary>], iteration_bounds = array<i64: 16>, scalar_prefetch = 0 : i64, scratch_operands = 0 : i64, tpu.core_type = #tpu.core_type<tc>, window_params = [{pipeline_mode = #tpu.pipeline_mode<synchronous>, transform_indices = @transform_0, window_bounds = array<i64: 1, 64>}, {transform_indices = @transform_1, window_bounds = array<i64: 1>}, {transform_indices = @transform_2, window_bounds = array<i64: 1>}, {transform_indices = @transform_3, window_bounds = array<i64: 512, 2048>}, {pipeline_mode = #tpu.pipeline_mode<synchronous>, transform_indices = @transform_4, window_bounds = array<i64: 2048, 64>}, {pipeline_mode = #tpu.pipeline_mode<synchronous>, transform_indices = @transform_5, window_bounds = array<i64: 64, 512>}, {pipeline_mode = #tpu.pipeline_mode<synchronous>, transform_indices = @transform_6, window_bounds = array<i64: 512, 64>}, {transform_indices = @transform_7, window_bounds = array<i64: 64, 512>}]} {
    %get3A = arith.constant 0 : index
    %get3A_0 = arith.constant 0 : index
    %get3A_1 = vector.load %arg4[%get3A, %get3A_0] : memref<512x2048xf32, #tpu.memory_space<vmem>>, vector<512x2048xf32>
    %get3A_2 = arith.constant 0 : index
    %get3A_3 = arith.constant 0 : index
    %get3A_4 = vector.load %arg5[%get3A_2, %get3A_3] : memref<2048x64xf32, #tpu.memory_space<vmem>>, vector<2048x64xf32>
    %dot_general3A = arith.constant dense<0.000000e+00> : vector<512x64xf32>
    %dot_general3A_5 = tpu.matmul %get3A_1, %get3A_4, %dot_general3A {dimension_numbers = #tpu.dot_dimension_numbers<[1], [0], [0], [1], [0, 0, 1, 1], [], []>, transpose_lhs_hint = false} : vector<512x2048xf32>, vector<2048x64xf32>, vector<512x64xf32> -> vector<512x64xf32>
    %get3A_6 = arith.constant 0 : index
    %get3A_7 = arith.constant 0 : index
    %get3A_8 = vector.load %arg6[%get3A_6, %get3A_7] : memref<64x512xf32, #tpu.memory_space<vmem>>, vector<64x512xf32>
    %dot_general3A_9 = arith.constant dense<0.000000e+00> : vector<512x512xf32>
    %dot_general3A_10 = tpu.matmul %dot_general3A_5, %get3A_8, %dot_general3A_9 {dimension_numbers = #tpu.dot_dimension_numbers<[1], [0], [0], [1], [0, 0, 1, 1], [], []>, transpose_lhs_hint = false} : vector<512x64xf32>, vector<64x512xf32>, vector<512x512xf32> -> vector<512x512xf32>
    %mul3A = arith.mulf %dot_general3A_10, %dot_general3A_10 : vector<512x512xf32>
    %get3A_11 = arith.constant 0 : index
    %get3A_12 = arith.constant 0 : index
    %get3A_13 = vector.load %arg7[%get3A_11, %get3A_12] : memref<512x64xf32, #tpu.memory_space<vmem>>, vector<512x64xf32>
    %dot_general3A_14 = arith.constant dense<0.000000e+00> : vector<512x64xf32>
    %dot_general3A_15 = tpu.matmul %mul3A, %get3A_13, %dot_general3A_14 {dimension_numbers = #tpu.dot_dimension_numbers<[1], [0], [0], [1], [0, 0, 1, 1], [], []>, precision = #tpu.contract_precision<fp32>, transpose_lhs_hint = false} : vector<512x512xf32>, vector<512x64xf32>, vector<512x64xf32> -> vector<512x64xf32>
    %get3A_16 = arith.constant 0 : index
    %get3A_17 = arith.constant 0 : index
    %get3A_18 = vector.load %arg1[%get3A_16, %get3A_17] : memref<1x64xf32, #tpu.memory_space<vmem>>, vector<1x64xf32>
    %exp3A = math.exp %get3A_18 : vector<1x64xf32>
    %add3A = arith.constant 1.000000e+00 : f32
    %add3A_19 = vector.broadcast %add3A : f32 to vector<1x64xf32>
    %add3A_20 = arith.addf %add3A_19, %exp3A : vector<1x64xf32>
    %log3A = math.log %add3A_20 : vector<1x64xf32>
    %mul3A_21 = vector.broadcast %log3A : vector<1x64xf32> to vector<512x64xf32>
    %mul3A_22 = arith.mulf %dot_general3A_15, %mul3A_21 : vector<512x64xf32>
    %get3A_23 = arith.constant 0 : index
    %get3A_24 = memref.load %arg2[%get3A_23] : memref<1xf32, #tpu.memory_space<smem>>
    %get3A_25 = arith.constant 0 : index
    %get3A_26 = memref.load %arg3[%get3A_25] : memref<1xf32, #tpu.memory_space<smem>>
    %div3A = vector.broadcast %get3A_26 : f32 to vector<512x64xf32>
    %div3A_27 = arith.divf %mul3A_22, %div3A : vector<512x64xf32>
    %tanh3A = math.tanh %div3A_27 : vector<512x64xf32>
    %mul3A_28 = vector.broadcast %get3A_24 : f32 to vector<512x64xf32>
    %mul3A_29 = arith.mulf %mul3A_28, %tanh3A : vector<512x64xf32>
    %transpose3A = tpu.transpose %mul3A_29, [1, 0] : vector<512x64xf32> -> vector<64x512xf32>
    %swap3A = arith.constant 0 : index
    %swap3A_30 = arith.constant 0 : index
    %swap3A_31 = vector.load %arg8[%swap3A, %swap3A_30] : memref<64x512xf32, #tpu.memory_space<vmem>>, vector<64x512xf32>
    tpu.vector_store %arg8[%swap3A, %swap3A_30], %transpose3A {strides = array<i32>} : memref<64x512xf32, #tpu.memory_space<vmem>>, vector<64x512xf32>,
    return
  }
  func.func @transform_0(%arg0: i32) -> (i32, i32) {
    %c0_i32 = arith.constant 0 : i32
    %c0_i32_0 = arith.constant 0 : i32
    %c0_i32_1 = arith.constant 0 : i32
    return %c0_i32, %c0_i32_0 : i32, i32
  }
  func.func @transform_1(%arg0: i32) -> i32 {
    %c0_i32 = arith.constant 0 : i32
    %c0_i32_0 = arith.constant 0 : i32
    return %c0_i32 : i32
  }
  func.func @transform_2(%arg0: i32) -> i32 {
    %c0_i32 = arith.constant 0 : i32
    %c0_i32_0 = arith.constant 0 : i32
    return %c0_i32 : i32
  }
  func.func @transform_3(%arg0: i32) -> (i32, i32) {
    %c0_i32 = arith.constant 0 : i32
    %c0_i32_0 = arith.constant 0 : i32
    return %arg0, %c0_i32 : i32, i32
  }
  func.func @transform_4(%arg0: i32) -> (i32, i32) {
    %c0_i32 = arith.constant 0 : i32
    %c0_i32_0 = arith.constant 0 : i32
    %c0_i32_1 = arith.constant 0 : i32
    return %c0_i32, %c0_i32_0 : i32, i32
  }
  func.func @transform_5(%arg0: i32) -> (i32, i32) {
    %c0_i32 = arith.constant 0 : i32
    %c0_i32_0 = arith.constant 0 : i32
    %c0_i32_1 = arith.constant 0 : i32
    return %c0_i32, %c0_i32_0 : i32, i32
  }
  func.func @transform_6(%arg0: i32) -> (i32, i32) {
    %c0_i32 = arith.constant 0 : i32
    %c0_i32_0 = arith.constant 0 : i32
    %c0_i32_1 = arith.constant 0 : i32
    return %c0_i32, %c0_i32_0 : i32, i32
  }
  func.func @transform_7(%arg0: i32) -> (i32, i32) {
    %c0_i32 = arith.constant 0 : i32
    %c0_i32_0 = arith.constant 0 : i32
    return %c0_i32, %arg0 : i32, i32
  }
}

module attributes {stable_mosaic.version = 14 : i64} {
  func.func @body(%arg0: memref<32x64xf32, #tpu.memory_space<vmem>>, %arg1: memref<1x1xf32, #tpu.memory_space<vmem>>) attributes {dimension_semantics = [], scalar_prefetch = 0 : i64, scratch_operands = 0 : i64, tpu.core_type = #tpu.core_type<tc>} {
    %get3A = arith.constant 0 : index
    %get3A_0 = arith.constant 0 : index
    %get3A_1 = vector.load %arg0[%get3A, %get3A_0] : memref<32x64xf32, #tpu.memory_space<vmem>>, vector<32x64xf32>
    %reduce_sum3A = arith.constant dense<0.000000e+00> : vector<64xf32>
    %reduce_sum3A_2 = vector.multi_reduction <add>, %get3A_1, %reduce_sum3A [0] : vector<32x64xf32> to vector<64xf32>
    %broadcast_in_dim3A = vector.shape_cast %reduce_sum3A_2 : vector<64xf32> to vector<1x64xf32>
    %div3A = arith.constant 8.192000e+03 : f32
    %div3A_3 = vector.broadcast %div3A : f32 to vector<1x64xf32>
    %div3A_4 = arith.divf %broadcast_in_dim3A, %div3A_3 : vector<1x64xf32>
    %sub3A = arith.constant 1.562500e-02 : f32
    %sub3A_5 = vector.broadcast %sub3A : f32 to vector<1x64xf32>
    %sub3A_6 = arith.subf %div3A_4, %sub3A_5 : vector<1x64xf32>
    %mul3A = arith.mulf %sub3A_6, %sub3A_6 : vector<1x64xf32>
    %reduce_sum3A_7 = arith.constant dense<0.000000e+00> : vector<1xf32>
    %reduce_sum3A_8 = vector.multi_reduction <add>, %mul3A, %reduce_sum3A_7 [1] : vector<1x64xf32> to vector<1xf32>
    %broadcast_in_dim3A_9 = vector.shape_cast %reduce_sum3A_8 : vector<1xf32> to vector<1x1xf32>
    %swap3A = arith.constant 0 : index
    %swap3A_10 = arith.constant 0 : index
    %swap3A_11 = vector.load %arg1[%swap3A, %swap3A_10] : memref<1x1xf32, #tpu.memory_space<vmem>>, vector<1x1xf32>
    tpu.vector_store %arg1[%swap3A, %swap3A_10], %broadcast_in_dim3A_9 {strides = array<i32>} : memref<1x1xf32, #tpu.memory_space<vmem>>, vector<1x1xf32>,
    return
  }
}

</mosaic_0001>

<sc_bundles>
// kernel: kernel.5.cloned.1.call-start
scs
__scs_entry_jumppad:
0x0: {  	(pc) =	sbr.rel $0x88, $3  }
0x1: {  	(tag) =	ssettag $0x0;
	lr =	simm.s32 $0x1  }
0x2: {  	[smem:$0x3F9B] =	sst lr;
	_ =	strace $0xD0000000  }
0x3: {  	_ = 	snop  }
0x4: {  	_ = 	snop  }
0x5: {  	_ = 	snop  }
0x6: {  	_ = 	snop  }
0x7: {  	_ = 	snop  }
__scs_overlays_trampoline_lowered:
0x8: {  	[smem:$0x3FAA] =	sst s0  }
0x9: {  	[smem:$0x3FAB] =	sst s1  }
0xa: {  	[smem:$0x3FAC] =	sst s2  }
0xb: {  	[smem:$0x3FAD] =	sst s3  }
0xc: {  	[smem:$0x3FAE] =	sst s4  }
0xd: {  	[smem:$0x3FAF] =	sst s5  }
0xe: {  	[smem:$0x3FB0] =	sst s6  }
0xf: {  	[smem:$0x3FB1] =	sst s7  }
0x10: {  	[smem:$0x3FB2] =	sst s8  }
0x11: {  	[smem:$0x3FB3] =	sst s9;
	s0 =	simm.s32 @!p0 $0x0  }
0x12: {  	s1 =	sld [smem:$0x3F99];
	s0 =	simm.s32 @p0 $0x1  }
0x13: {  	[smem:$0x3FB4] =	sst s0;
	s0 =	simm.s32 @!p1 $0x0  }
0x14: {  	s2 =	sld [smem:$0x3F98];
	s0 =	simm.s32 @p1 $0x1  }
0x15: {  	[smem:$0x3FB5] =	sst s0;
	s0 =	simm.s32 @!p2 $0x0  }
0x16: {  	s3 =	sld [smem:$0x3FDB];
	s0 =	simm.s32 @p2 $0x1  }
0x17: {  	s4 =	simm.s32 $0x1BF5;
	[smem:$0x3FB7] =	sst s0  }
0x18: {  	s0 =	sld [smem:$0x3F9A];
	_ =	swait.ge [sflag:s4], $0x0  }
0x19: {  	s7 =	sld [smem:$0x3F9B]  }
0x1a: {  	s8 =	sadd.s32 $0xFFFFE003, lr  }
0x1b: {  	s9 =	sadd.s32 $0xFFFFFEF7, lr;
	s5 =	simm.s32 $0xFFFFFFFF;
	p2 =	slt.u32 s8, $0xFFFFF086  }
0x1c: {  	p1 =	slt.u32 s9, $0xF7A;
	s5 =	simm.s32 @!p2 $0x0  }
0x1d: {  	s5 =	simm.s32 @p1 $0x1;
	p0 =	seq.s32 s7, s2  }
0x1e: {  	s7 =	smul.u32 @!p0 $0xF7A, s2;
	p2 =	seq.s32 @!p0 s5, $0x0  }
0x1f: {  	s9 =	smul.u32 $0xF7A, s1;
	s8 =	simm.s32 @!p0 $0x1BF5;
	p2 =	por !p2, p0  }
0x20: {  	[sflag:s8] =	ssyncset.s32 @!p0 $0xFFFFF086;
	s6 =	sadd.s32 @!p0 s3, s7;
	s7 =	simm.s32 @!p0 $0x108  }
0x21: {  	s3 =	sadd.s32 s3, s9;
	s6 =	sadd.s32 @!p0 $0x88, s6;
	s7 =	simm.s32 @p2 $0x1082  }
0x22: {  	[simem:s7], [sflag:s8] =	dma.local @!p0 [hbm:s6], $0xF7A  }
0x23: {  	s9 =	sor.u32 $0xD0000000, s2;
	s6 =	simm.s32 $0x108;
	_ =	swait.ge @!p0 [sflag:s8], $0x0  }
0x24: {  	s3 =	sadd.s32 $0x88, s3;
	s6 =	simm.s32 @!p1 $0x1082;
	[sflag:s4] =	ssyncset.s32 $0xFFFFF086  }
0x25: {  	[simem:s6], [sflag:s4] =	dma.local [hbm:s3], $0xF7A  }
0x26: {  	[smem:$0x3F9B] =	sst s1;
	(tag) =	ssettag s2;
	_ =	strace s9  }
0x27: {  	s1 =	sld [smem:$0x3FAB]  }
0x28: {  	s2 =	sld [smem:$0x3FAC]  }
0x29: {  	s4 =	sld [smem:$0x3FAE]  }
0x2a: {  	p0 =	seq.s32 s5, $0x0;
	s5 =	sld [smem:$0x3FAF]  }
0x2b: {  	s6 =	sld [smem:$0x3FB0]  }
0x2c: {  	s7 =	sld [smem:$0x3FB1]  }
0x2d: {  	s3 =	simm.s32 $0x108;
	s8 =	sld [smem:$0x3FB2]  }
0x2e: {  	s3 =	simm.s32 @!p0 $0x1082;
	s9 =	sld [smem:$0x3FB3]  }
0x2f: {  	lr =	sadd.s32 s0, s3;
	s0 =	sld [smem:$0x3FAA]  }
0x30: {  	s3 =	sld [smem:$0x3FAD]  }
0x31: {  	[smem:$0x3FB6] =	sst s10  }
0x32: {  	s10 =	sld [smem:$0x3FB4];
	_ =	sdelay $0x3  }
0x33: {  	p0 =	seq.s32 s10, $0x1;
	s10 =	sld [smem:$0x3FB6];
	_ =	sdelay $0x3  }
0x34: {  	[smem:$0x3FB6] =	sst s10  }
0x35: {  	s10 =	sld [smem:$0x3FB5];
	_ =	sdelay $0x3  }
0x36: {  	p1 =	seq.s32 s10, $0x1;
	s10 =	sld [smem:$0x3FB6];
	_ =	sdelay $0x3  }
0x37: {  	[smem:$0x3FB6] =	sst s10  }
0x38: {  	s10 =	sld [smem:$0x3FB7]  }
0x39: {  	_ = 	snop;
	(pc) =	sbr.ind lr, $3  }
0x3a: {  	_ = 	snop  }
0x3b: {  	_ = 	snop  }
0x3c: {  	p2 =	seq.s32 s10, $0x1;
	s10 =	sld [smem:$0x3FB6]  }
0x3d: {  	_ =	shalt  }
0x3e: {  	_ =	shalt  }
0x3f: {  	_ =	shalt  }
0x40: {  	_ =	shalt  }
0x41: {  	_ =	shalt  }
0x42: {  	_ =	shalt  }
0x43: {  	_ =	shalt  }
0x44: {  	_ =	shalt  }
0x45: {  	_ =	shalt  }
0x46: {  	_ =	shalt  }
0x47: {  	_ =	shalt  }
0x48: {  	_ =	shalt  }
0x49: {  	_ =	shalt  }
0x4a: {  	_ =	shalt  }
0x4b: {  	_ =	shalt  }
0x4c: {  	_ =	shalt  }
0x4d: {  	_ =	shalt  }
0x4e: {  	_ =	shalt  }
0x4f: {  	_ =	shalt  }
0x50: {  	_ =	shalt  }
0x51: {  	_ =	shalt  }
0x52: {  	_ =	shalt  }
0x53: {  	_ =	shalt  }
0x54: {  	_ =	shalt  }
0x55: {  	_ =	shalt  }
0x56: {  	_ =	shalt  }
0x57: {  	_ =	shalt  }
0x58: {  	_ =	shalt  }
0x59: {  	_ =	shalt  }
0x5a: {  	_ =	shalt  }
0x5b: {  	_ =	shalt  }
0x5c: {  	_ =	shalt  }
0x5d: {  	_ =	shalt  }
0x5e: {  	_ =	shalt  }
0x5f: {  	_ =	shalt  }
0x60: {  	_ =	shalt  }
0x61: {  	_ =	shalt  }
0x62: {  	_ =	shalt  }
0x63: {  	_ =	shalt  }
0x64: {  	_ =	shalt  }
0x65: {  	_ =	shalt  }
0x66: {  	_ =	shalt  }
0x67: {  	_ =	shalt  }
0x68: {  	_ =	shalt  }
0x69: {  	_ =	shalt  }
0x6a: {  	_ =	shalt  }
0x6b: {  	_ =	shalt  }
0x6c: {  	_ =	shalt  }
0x6d: {  	_ =	shalt  }
0x6e: {  	_ =	shalt  }
0x6f: {  	_ =	shalt  }
0x70: {  	_ =	shalt  }
0x71: {  	_ =	shalt  }
0x72: {  	_ =	shalt  }
0x73: {  	_ =	shalt  }
0x74: {  	_ =	shalt  }
0x75: {  	_ =	shalt  }
0x76: {  	_ =	shalt  }
0x77: {  	_ =	shalt  }
0x78: {  	_ =	shalt  }
0x79: {  	_ =	shalt  }
0x7a: {  	_ =	shalt  }
0x7b: {  	_ =	shalt  }
0x7c: {  	_ =	shalt  }
0x7d: {  	_ =	shalt  }
0x7e: {  	_ =	shalt  }
0x7f: {  	_ =	shalt  }
0x80: {  	_ =	shalt  }
0x81: {  	_ =	shalt  }
0x82: {  	_ =	shalt  }
0x83: {  	_ =	shalt  }
0x84: {  	_ =	shalt  }
0x85: {  	_ =	shalt  }
0x86: {  	_ =	shalt  }
0x87: {  	_ =	shalt  }
.Lfunc_end0:
.L_simem_size_0:
called_computation_lowered:
.L_overlay_start_0:
0x88: {  	s2 =	sld [smem:$0x3FD9]  }
0x89: {  	s3 =	sld [smem:$0x3FFE];
	_ =	sdelay $0x1  }
0x8a: {  	s1 =	srdreg.scid  }
0x8b: {  	s0 =	sand.u32 $0x1, s1  }
0x8c: {  	s14 =	sshll.u32 s0, $0xA;
	s2 =	sadd.s32 s3, s2  }
0x8d: {  	s2 =	sadd.s32 s2, s14  }
0x8e: {  	[smem:$0x3FC2] =	sst s2  }
0x8f: {  	_ = 	snop  }
0x90: {  	s2 =	sld [smem:$0x3FD0];
	_ =	sdelay $0x2  }
0x91: {  	s15 =	simm.s32 $0xA;
	s4 =	simm.s32 $0x10  }
0x92: {  	[smem:s4], [sflag:s15] =	dma.local [hbm:s2], $0x1  }
0x93: {  	_ =	swait.eq [sflag:s15], $0x1  }
0x94: {  	[sflag:s15] =	ssyncset.done $0x0  }
0x95: {  	s16 =	sld [smem:$0x10];
	[sflag:s15] =	ssyncadd.s32 $0xFFFFFFFF  }
0x96: {  	s17 =	sld [smem:$0x11];
	(tm) =	ssettm $0x1  }
0x97: {  	s18 =	sld [smem:$0x3FFB];
	_ =	sdelay $0x3  }
0x98: {  	_ =	strace s18  }
0x99: {  	s4 =	sld [smem:$0x3FFC];
	_ =	sdelay $0x3  }
0x9a: {  	_ =	strace s4  }
0x9b: {  	s4 =	sld [smem:$0x3FFD];
	_ =	sdelay $0x3  }
0x9c: {  	_ =	strace s4  }
0x9d: {  	_ =	strace $0x8FFFFFFF  }
0x9e: {  	s19 =	sld [smem:$0x3FDB];
	_ =	sdelay $0x1  }
0x9f: {  	s5 =	simm.s32 $_scs_section_size  }
0xa0: {  	s6 =	simm.s32 $_size__tile_overlayer_lowered;
	s7 =	simm.s32 $_tile_overlayer_lowered  }
0xa1: {  	s22 =	simm.s32 $0x1BFF;
	s21 =	sshll.u32 s7, $0x1;
	s4 =	sadd.s32 s5, s19  }
0xa2: {  	s8 =	simm.s32 $0x0;
	s20 =	sshll.u32 s6, $0x1;
	s6 =	sadd.s32 s21, s4  }
0xa3: {  	[timem:s8], [sflag:s22] =	dma.local [hbm:s6], s20  }
0xa4: {  	_ =	swait.ge [sflag:s22], s20  }
0xa5: {  	s5 =	ssub.s32 $0x0, s20;
	[sflag:s22] =	ssyncset.done $0x0  }
0xa6: {  	[sflag:s22] =	ssyncadd.s32 s5;
	_ =	sdelay $0x1  }
0xa7: {  	s23 =	simm.s32 $0x1B8B  }
0xa8: {  	_ =	swait.ge [sflag:s23], $0x1  }
0xa9: {  	[sflag:s23] =	ssyncset.done $0x0  }
0xaa: {  	s25 =	simm.s32 $0x1B8E;
	s24 =	sld [smem:$0x3FFE];
	[sflag:s23] =	ssyncadd.s32 $0xFFFFFFFF  }
0xab: {  	s26 =	simm.s32 $execute0_lowered;
	[smem:$0x3FD2] =	sst s25  }
0xac: {  	s6 =	sshll.u32 s26, $0x1;
	_ =	strace $0x80000046;
	[dreg:$0x1] =	wrdreg $0xFFFFFFFF  }
0xad: {  	s28 =	simm.s32 $_size_execute0_lowered;
	s4 =	sadd.s32 s4, s6;
	[dreg:$0x0] =	wrdreg $0x0  }
0xae: {  	s6 =	sshll.u32 s28, $0x1;
	[dreg:$0x2] =	wrdreg s4  }
0xaf: {  	[dreg:$0x3] =	wrdreg s6  }
0xb0: {  	[dreg:$0x4] =	wrdreg $0xC0  }
0xb1: {  	_ =	task [dreg:s8], $0x5FFFF  }
0xb2: {  	[dreg:$0x1] =	wrdreg $0xFFFFFFFF  }
0xb3: {  	[dreg:$0x0] =	wrdreg $0x60  }
0xb4: {  	[dreg:$0x2] =	wrdreg s16  }
0xb5: {  	[dreg:$0x3] =	wrdreg s24  }
0xb6: {  	[dreg:$0x4] =	wrdreg s17  }
0xb7: {  	[dreg:$0x5] =	wrdreg $0x9  }
0xb8: {  	_ =	task.clear_ibuf [dreg:s8], $0x6FFFF;
	_ =	strace $0x90000046  }
0xb9: {  	s29 =	simm.s32 $0x9;
	_ =	strace $0x80000048  }
0xba: {  	_ =	swait.ge [sflag:s29], $0x1  }
0xbb: {  	[sflag:s29] =	ssyncadd.s32 $0xFFFFFFFF  }
0xbc: {  	_ =	strace $0x90000048  }
0xbd: {  	_ =	sfence  }
0xbe: {  	s30 =	sld [smem:$0x0];
	_ =	sdelay $0x2  }
0xbf: {  	s31 =	sshll.u32 s1, $0xD;
	s1 =	sshrl.u32 s1, $0x2  }
0xc0: {  	s3 =	sand.u32 $0x4000, s31;
	s1 =	sadd.s32 s1, s30  }
0xc1: {  	s0 =	sor.u32 s3, s0;
	s1 =	sshll.u32 s1, $0x11  }
0xc2: {  	s0 =	sor.u32 s1, s0  }
0xc3: {  	s0 =	sadd.s32 $0x8F2B, s0  }
0xc4: {  	[sflag:s0] =	ssyncadd.remote.s32 $0x1  }
0xc5: {  	_ =	sfence.sel $0xFFFF  }
0xc6: {  	[dreg:$0x0] =	wrdreg $0xFFFFFFFF;
	(pc) =	sbr.abs _section_cstart, $3  }
0xc7: {  	[dreg:$0x1] =	wrdreg $0xFFFFFFFF  }
0xc8: {  	_ =	task.clear_ibuf [dreg:s8], $0x2FFFF;
	_ =	strace $0x9FFFFFFF  }
0xc9: {  	(tm) =	ssettm $0x7FFFFFFF  }
tec
execute0_lowered:
.L_overlay_start_1:
0x0: {  	(tag) =	ssettag $0x1  }
0x1: {  	s3 =	rddreg [dreg:$0x0]  }
0x2: {  	s4 =	rddreg [dreg:$0x1]  }
0x3: {  	s6 =	rddreg [dreg:$0x2]  }
0x4: {  	s0 =	rddreg [dreg:$0x3]  }
0x5: {  	s2 =	simm.s32 $0x0;
	s5 =	srdreg.scid;
	s1 =	stileid.u32  }
0x6: {  	s11 =	simm.s32 $0x4000;
	s12 =	simm.s32 $0xC000;
	s13 =	simm.s32 $0x14000  }
0x7: {  	s14 =	simm.s32 $0x0;
	s5 =	sand.u32 $0x1, s5;
	s7 =	sshll.u32 s1, $0x1  }
0x8: {  	[smem:$0x7FF] =	sst s2;
	s7 =	sor.u32 s5, s7;
	s5 =	ssub.s32 $0x2, s5  }
0x9: {  	_ =	strace $0x80000047;
	s8 =	sshll.u32 s7, $0xC;
	s9 =	sshrl.u32 s5, $0x1  }
0xa: {  	s10 =	sshll.u32 s7, $0x8;
	s7 =	sshll.u32 s7, $0x4;
	s8 =	sadd.s32 s8, s4  }
0xb: {  	s9 =	ssub.s32 s5, s9;
	s3 =	sadd.s32 s3, s10;
	s6 =	sadd.s32 s6, s7  }
0xc: {  	v1 =	vlaneseq.u32;
	s10 =	simm.s32 $0x1;
	s4 =	sadd.s32 $0x1000, s8;
	s5 =	sadd.s32 $0x21000, s8  }
0xd: {  	v0 =	vimm.f32 $0.0e+00;
	v1 =	vmul.u32 $0x80, v1;
	s7 =	smax.u32 s9, $0x1;
	s8 =	simm.s32 $0x800;
	s9 =	simm.s32 $0x10000  }
.LBB2_1:
0xe: {  	[tilespmem:s2], [sflag:$0x1] =	stream.strided.gather [hbm4b:s3+s8], $0x4000, s9, s8, $0x38;
	[tilespmem:$0x14080] =	vst v63  }
0xf: {  	_ =	swait.ge [sflag:s10], $0x4000  }
0x10: {  	[sflag:s10] =	ssyncset.done $0x0  }
0x11: {  	s15 =	simm.s32 $0x200;
	s16 =	simm.s32 $0x0;
	[sflag:s10] =	ssyncadd.s32 $0xFFFFC000  }
.LBB2_2:
0x12: {  	p0 =	sne.s32 s15, $0x1FE00;
	[tilespmem:s16+$0x4030] =	vst v0;
	s17 =	smov.u32 s15;
	s15 =	sadd.s32 $0x200, s15  }
.Ltmp0:
0x13: {  	[tilespmem:s16+$0x4020] =	vst v0;
	(pc) =	sbr.rel @p0 .LBB2_2-.Ltmp0, $3  }
0x14: {  	[tilespmem:s16+$0x4000] =	vst v0  }
0x15: {  	[tilespmem:s16+$0x4010] =	vst v0;
	_ =	sdelay $0x1  }
0x16: {  	s16 =	sshra.s32 s17, $0x2  }
0x17: {  	[tilespmem:s16+$0x4030] =	vst v0  }
0x18: {  	[tilespmem:s16+$0x4020] =	vst v0  }
0x19: {  	[tilespmem:s16+$0x4000] =	vst v0  }
0x1a: {  	s15 =	simm.s32 $0x0;
	[tilespmem:s16+$0x4010] =	vst v0;
	s16 =	simm.s32 $0x0  }
.LBB2_4:
0x1b: {  	s17 =	sshll.u32 s16, $0x4  }
0x1c: {  	s18 =	sand.u32 $0x70, s17  }
0x1d: {  	v12 =	vmov s18  }
0x1e: {  	s25 =	sshll.u32 s16, $0x7  }
0x1f: {  	s26 =	sand.u32 $0x3800, s15;
	s19 =	sand.u32 $0x400, s25  }
0x20: {  	s20 =	sand.u32 $0x380, s15;
	s18 =	sor.u32 s26, s19  }
0x21: {  	s18 =	sadd.s32 s20, s18  }
0x22: {  	v3 =	vld.idx.msk [tilespmem:v12+s18+$0x0 ss:$0x1], $0xffff  }
0x23: {  	s28 =	simm.s32 $0x100  }
0x24: {  	s29 =	simm.s32 $0x80;
	s18 =	sand.u32 $0x3800, s28  }
0x25: {  	s20 =	sand.u32 $0x380, s29;
	s18 =	sor.u32 s18, s19  }
0x26: {  	v14 =	vimm.f32 $-Inf;
	s18 =	sadd.s32 s20, s18  }
0x27: {  	v4 =	vld.idx.msk [tilespmem:v12+s18+$0x0 ss:$0x1], $0xffff;
	vm0 =	vgt.f32 v3, v14  }
0x28: {  	v2 =	vimm.s32 $0x0;
	v27 =	vimm.f32 $-Inf;
	v5 =	vsel vm0, v14, v3  }
0x29: {  	v28 =	vimm.f32 $-Inf;
	v26 =	vimm.f32 $-Inf;
	vm1 =	vgt.f32 v5, v14  }
0x2a: {  	v7 =	vsel vm0, s15, v2;
	vm3 =	vmor vm0, vm1;
	v9 =	vsel vm1, s15, v2  }
0x2b: {  	v6 =	vsel vm3, v14, v3;
	v3 =	vsel vm0, v3, v14;
	v5 =	vsel vm3, v5, v14  }
0x2c: {  	v9 =	vsel vm0, v2, v9;
	vm2 =	vgt.f32 v6, v14;
	vm4 =	vgt.f32 v4, v3  }
0x2d: {  	v11 =	vnsel vm3, s15, v2;
	v8 =	vsel vm4, v3, v4;
	vm5 =	vmor vm3, vm2  }
0x2e: {  	s30 =	simm.s32 $0x200;
	v20 =	vsel vm4, v4, v3;
	vm1 =	vgt.f32 v8, v5;
	v10 =	vsel vm5, v14, v6  }
0x2f: {  	s31 =	simm.s32 $0x1;
	s20 =	simm.s32 $0x100;
	s18 =	sand.u32 $0x3800, s30;
	v16 =	vsel vm5, v6, v14;
	v3 =	vsel vm5, v11, v2;
	vm2 =	vmor vm4, vm1  }
0x30: {  	s21 =	sand.u32 $0x380, s20;
	s18 =	sor.u32 s18, s19;
	vm0 =	vgt.f32 v10, v14;
	v6 =	vsel vm1, s31, v9;
	v13 =	vsel vm2, v8, v5  }
0x31: {  	s18 =	sadd.s32 s21, s18;
	vm0 =	vmor vm5, vm0;
	v15 =	vsel vm2, v5, v4;
	v4 =	vsel vm4, s31, v7  }
0x32: {  	v24 =	vld.idx.msk [tilespmem:v12+s18+$0x0 ss:$0x1], $0xffff;
	v6 =	vsel vm4, v7, v6;
	v7 =	vsel vm5, v2, v11;
	v5 =	vsel vm0, v14, v10  }
0x33: {  	v17 =	vsel vm0, v10, v14;
	vm5 =	vgt.f32 v15, v16;
	vm3 =	vgt.f32 v5, v14  }
0x34: {  	v8 =	vsel vm0, v2, v7;
	v7 =	vsel vm0, v7, v2;
	vm6 =	vmor vm0, vm3  }
0x35: {  	v19 =	vsel vm6, v5, v14;
	v25 =	vsel vm6, v14, v5;
	v5 =	vnsel vm2, s31, v9  }
0x36: {  	v9 =	vsel vm6, v2, v8;
	v8 =	vsel vm6, v8, v2;
	vm1 =	vgt.f32 v25, v14  }
0x37: {  	vm2 =	vmor vm2, vm5;
	vm7 =	vmor vm6, vm1;
	vm1 =	vgt.f32 v24, v20  }
0x38: {  	v23 =	vsel vm2, v15, v16;
	v29 =	vsel vm7, v14, v25;
	v10 =	vsel vm1, v20, v24  }
0x39: {  	v30 =	vsel vm2, v16, v15;
	vm0 =	vgt.f32 v29, v14;
	vm3 =	vgt.f32 v10, v13  }
0x3a: {  	v16 =	vimm.s32 $0x0;
	vm4 =	vmor vm7, vm0;
	vm0 =	vmor vm1, vm3  }
0x3b: {  	v11 =	vmovc v6;
	v18 =	vsel vm7, v2, v9;
	v9 =	vsel vm7, v9, v2;
	v21 =	vsel vm0, v10, v13  }
0x3c: {  	s23 =	simm.s32 $0x3;
	s21 =	simm.s32 $0x300;
	s18 =	simm.s32 $0x2;
	v15 =	vmovc v3;
	v22 =	vsel vm0, v13, v24;
	v31 =	vsel vm4, v14, v29;
	v13 =	vimm.s32 $0x0;
	v10 =	vmovc v4  }
.LBB2_5:
0x3d: {  	s24 =	sand.u32 $0x3800, s21  }
0x3e: {  	v20 =	vsel vm1, v24, v20;
	s20 =	sadd.s32 $0x80, s20;
	v14 =	vsel vm4, v29, v14;
	vm6 =	vgt.f32 v31, v27;
	s25 =	smov.u32 s23;
	s22 =	sadd.s32 $0x1, s23  }
0x3f: {  	p0 =	sne.s32 s23, $0x3F;
	vm5 =	vgt.f32 v30, v17;
	v2 =	vsel vm4, v18, v2;
	s26 =	sand.u32 $0x380, s20;
	s24 =	sor.u32 s24, s19;
	v24 =	vsel vm6, v29, v27  }
0x40: {  	v28 =	vsel vm7, v25, v28;
	vm5 =	vmor vm2, vm5;
	s23 =	sadd.s32 s26, s24;
	v27 =	vsel vm4, v26, v24;
	v26 =	vmovc v14  }
0x41: {  	v16 =	vsel vm6, v18, v16;
	v29 =	vsel vm5, v17, v30;
	v17 =	vsel vm5, v30, v17;
	v24 =	vld.idx.msk [tilespmem:v12+s23+$0x0 ss:$0x1], $0xffff  }
0x42: {  	v3 =	vsel vm2, v5, v3;
	v16 =	vsel vm4, v13, v16;
	v13 =	vmovc v2;
	vm6 =	vgt.f32 v29, v19  }
0x43: {  	v4 =	vsel vm1, s18, v4;
	v6 =	vsel vm3, s18, v6;
	vm4 =	vmor vm5, vm6  }
0x44: {  	v6 =	vsel vm1, v10, v6;
	v10 =	vmovc v4;
	v25 =	vsel vm4, v19, v29;
	v19 =	vsel vm4, v29, v19  }
0x45: {  	v18 =	vsel vm2, v15, v5;
	v5 =	vnsel vm0, s18, v11;
	v15 =	vmovc v3;
	s18 =	smov.u32 s25;
	v11 =	vmovc v6;
	vm1 =	vgt.f32 v25, v28  }
0x46: {  	vm2 =	vgt.f32 v22, v23;
	v30 =	vsel vm5, v7, v18;
	vm7 =	vmor vm4, vm1  }
0x47: {  	v31 =	vsel vm4, v8, v30;
	vm1 =	vgt.f32 v24, v20;
	v29 =	vsel vm7, v28, v25  }
.Ltmp1:
0x48: {  	v7 =	vsel vm5, v18, v7;
	v32 =	vsel vm1, v20, v24;
	vm5 =	vgt.f32 v29, v14;
	(pc) =	sbr.rel @p0 .LBB2_5-.Ltmp1, $4  }
0x49: {  	v8 =	vsel vm4, v30, v8;
	vm3 =	vgt.f32 v32, v21;
	vm4 =	vmor vm7, vm5  }
0x4a: {  	vm2 =	vmor vm0, vm2;
	v18 =	vsel vm7, v9, v31;
	vm0 =	vmor vm1, vm3  }
0x4b: {  	v9 =	vsel vm7, v31, v9;
	v33 =	vsel vm0, v21, v24;
	v21 =	vsel vm0, v32, v21  }
0x4c: {  	s21 =	sadd.s32 $0x100, s21;
	s23 =	smov.u32 s22;
	v30 =	vsel vm2, v23, v22;
	v23 =	vsel vm2, v22, v23;
	v31 =	vsel vm4, v14, v29;
	v22 =	vmovc v33  }
0x4d: {  	vm5 =	vgt.f32 v30, v17  }
0x4e: {  	v25 =	vsel vm7, v25, v28;
	v20 =	vsel vm1, v24, v20;
	v14 =	vsel vm4, v29, v14  }
0x4f: {  	vm13 =	vgt.f32 v31, v27;
	vm8 =	vgt.f32 v22, v23;
	v34 =	vimm.s32 $0x0  }
0x50: {  	vm5 =	vmor vm2, vm5;
	v62 =	vsel vm13, v29, v27;
	vm8 =	vmor vm0, vm8  }
0x51: {  	v38 =	vsub.f32 v20, v20;
	v21 =	vsub.f32 v21, v20;
	v12 =	vsel vm5, v17, v30  }
0x52: {  	v24 =	vsel vm4, v26, v62;
	v30 =	vsel vm5, v30, v17;
	v31 =	vsel vm8, v23, v22  }
0x53: {  	v33 =	vsel vm8, v22, v23;
	vm6 =	vgt.f32 v12, v19;
	vm10 =	vgt.f32 v31, v30  }
0x54: {  	v40 =	vmul.f32 $1.442695020e+00, v38;
	v21 =	vmul.f32 $1.442695020e+00, v21;
	vm6 =	vmor vm5, vm6  }
0x55: {  	v22 =	vsub.f32 v33, v20;
	vm10 =	vmor vm8, vm10;
	v61 =	vsel vm6, v19, v12  }
0x56: {  	v12 =	vsel vm6, v12, v19;
	v37 =	vsel vm10, v30, v31;
	v17 =	vsel vm10, v31, v30  }
0x57: {  	(erf) = vpow2.f32 v40;
	v22 =	vmul.f32 $1.442695020e+00, v22;
	vm7 =	vgt.f32 v61, v25  }
0x58: {  	vm14 =	vgt.f32 v37, v12;
	v17 =	vsub.f32 v17, v20;
	(erf) = vpow2.f32 v21  }
0x59: {  	vm7 =	vmor vm6, vm7;
	vm12 =	vmor vm10, vm14;
	(erf) = vpow2.f32 v22  }
0x5a: {  	v63 =	vsel vm7, v25, v61;
	v25 =	vsel vm7, v61, v25;
	v39 =	vsel vm12, v12, v37  }
0x5b: {  	v12 =	vsel vm12, v37, v12;
	v17 =	vmul.f32 $1.442695020e+00, v17;
	vm9 =	vgt.f32 v63, v14  }
0x5c: {  	vm15 =	vgt.f32 v39, v25;
	v12 =	vsub.f32 v12, v20;
	vm9 =	vmor vm7, vm9  }
0x5d: {  	vm15 =	vmor vm12, vm15;
	(erf) = vpow2.f32 v17;
	v32 =	vsel vm9, v14, v63  }
0x5e: {  	v35 =	vsel vm9, v63, v14;
	v41 =	vsel vm15, v25, v39;
	v23 =	vsel vm15, v39, v25  }
0x5f: {  	v12 =	vmul.f32 $1.442695020e+00, v12;
	vm11 =	vgt.f32 v32, v24;
	vm14 =	vgt.f32 v41, v35  }
0x60: {  	v43 =	vsub.f32 v23, v20;
	v36 =	vsel vm11, v63, v24;
	vm14 =	vmor vm15, vm14  }
0x61: {  	v19 =	vsel vm11, $0xFFFFFFFF, v34;
	v14 =	vsel vm9, v14, v36;
	v42 =	vsel vm14, v35, v41  }
0x62: {  	(erf) = vpow2.f32 v12;
	v44 =	vsel vm14, v41, v35;
	vm11 =	vgt.f32 v42, v14  }
0x63: {  	v45 =	vmul.f32 $1.442695020e+00, v43;
	v46 =	vsub.f32 v44, v20;
	v14 =	vsel vm11, v41, v14  }
0x64: {  	v14 =	vsel vm14, v35, v14  }
0x65: {  	v47 =	vpop (erf);
	(erf) = vpow2.f32 v45;
	v48 =	vmul.f32 $1.442695020e+00, v46;
	v14 =	vsub.f32 v14, v20  }
0x66: {  	v49 =	vpop (erf)  }
0x67: {  	v51 =	vadd.f32 v49, v47;
	(erf) = vpow2.f32 v48;
	v50 =	vmul.f32 $1.442695020e+00, v14  }
0x68: {  	v52 =	vpop (erf)  }
0x69: {  	v53 =	vadd.f32 v52, v51;
	(erf) = vpow2.f32 v50  }
0x6a: {  	v54 =	vpop (erf)  }
0x6b: {  	v12 =	vadd.f32 v54, v53  }
0x6c: {  	v55 =	vpop (erf)  }
0x6d: {  	v12 =	vadd.f32 v55, v12  }
0x6e: {  	v56 =	vpop (erf)  }
0x6f: {  	v16 =	vsel vm13, v18, v16;
	v12 =	vadd.f32 v56, v12  }
0x70: {  	v2 =	vsel vm4, v18, v2;
	v6 =	vsel vm3, s18, v6;
	v3 =	vsel vm2, v5, v3;
	v23 =	vpop (erf)  }
0x71: {  	v57 =	vsel vm2, v15, v5;
	v4 =	vsel vm1, s18, v4;
	v12 =	vadd.f32 v23, v12  }
0x72: {  	v58 =	vnsel vm0, s18, v11;
	v6 =	vsel vm1, v10, v6;
	v13 =	vsel vm4, v13, v16;
	v16 =	vpop (erf)  }
0x73: {  	v27 =	vmov s17;
	v29 =	vand.u32 $0xFFFFFF80, v4;
	[tilespmem:$0x1FFF0] =	vst v19;
	v12 =	vadd.f32 v16, v12  }
0x74: {  	v59 =	vsel vm5, v7, v57;
	v5 =	vsel vm5, v57, v7;
	v33 =	vand.u32 $0xFFFFFF80, v6;
	v18 =	vld [tilespmem:$0x1FFF0]  }
0x75: {  	v60 =	vsel vm6, v8, v59;
	v31 =	vand.u32 $0x7F, v4;
	(erf) = vrcp.f32 v12  }
0x76: {  	v61 =	vsel vm6, v59, v8;
	v62 =	vsel vm7, v9, v60;
	v7 =	vsel vm7, v60, v9  }
0x77: {  	v63 =	vsel vm9, v62, v2;
	v24 =	vsel vm8, v3, v58;
	v3 =	vsel vm8, v58, v3  }
0x78: {  	v25 =	vsel vm10, v5, v24;
	v5 =	vsel vm10, v24, v5;
	v37 =	vand.u32 $0xFFFFFF80, v3  }
0x79: {  	v39 =	vand.u32 $0x7F, v3;
	vm13 =	vnez.u8 v18;
	v12 =	vshll.u32 v27, $0x7  }
0x7a: {  	v26 =	vsel vm12, v61, v25;
	v11 =	vsel vm13, v62, v13;
	v12 =	vor.u32 v1, v12  }
0x7b: {  	v8 =	vsel vm12, v25, v61;
	v2 =	vsel vm9, v2, v11;
	v11 =	vadd.s32 v12, v29  }
0x7c: {  	v40 =	vand.u32 $0xFFFFFF80, v5;
	v42 =	vand.u32 $0x7F, v5;
	v32 =	vor.u32 v31, v11  }
0x7d: {  	v28 =	vsel vm15, v7, v26;
	v35 =	vand.u32 $0x7F, v6;
	v11 =	vadd.s32 v12, v33  }
0x7e: {  	v7 =	vsel vm15, v26, v7;
	v44 =	vand.u32 $0xFFFFFF80, v8;
	v11 =	vor.u32 v35, v11;
	v34 =	vpop (erf)  }
0x7f: {  	v38 =	vor.u32 $0x1, v12;
	v15 =	vadd.s32 v12, v37;
	v36 =	vmul.f32 v34, v47  }
0x80: {  	v30 =	vsel vm14, v28, v63;
	v46 =	vand.u32 $0x7F, v8;
	v15 =	vor.u32 v39, v15  }
0x81: {  	v41 =	vor.u32 $0x2, v12;
	v24 =	vadd.s32 v12, v40;
	v17 =	vmul.f32 v34, v49;
	[tilespmem:v32+s11+$0x0] =	vst.idx.msk $0xffff, v36  }
0x82: {  	v51 =	vand.u32 $0x7F, v7;
	v53 =	vand.u32 $0xFFFFFF80, v30;
	v18 =	vor.u32 v42, v24;
	[tilespmem:v12+s12+$0x0] =	vst.idx.msk $0xffff, v4  }
0x83: {  	v45 =	vor.u32 $0x3, v12;
	v20 =	vadd.s32 v12, v44;
	v43 =	vmul.f32 v34, v52;
	[tilespmem:v11+s11+$0x0] =	vst.idx.msk $0xffff, v17  }
0x84: {  	v2 =	vsel vm11, v28, v2;
	v48 =	vor.u32 v46, v20;
	v49 =	vand.u32 $0xFFFFFF80, v7;
	[tilespmem:v38+s12+$0x0] =	vst.idx.msk $0xffff, v6  }
0x85: {  	v50 =	vor.u32 $0x4, v12;
	v47 =	vmul.f32 v34, v54;
	v17 =	vadd.s32 v12, v49;
	[tilespmem:v15+s11+$0x0] =	vst.idx.msk $0xffff, v43  }
0x86: {  	v2 =	vsel vm14, v63, v2;
	v54 =	vor.u32 $0x5, v12;
	v52 =	vor.u32 v51, v17;
	[tilespmem:v41+s12+$0x0] =	vst.idx.msk $0xffff, v3  }
0x87: {  	v15 =	vadd.s32 v12, v53;
	v3 =	vmul.f32 v34, v55;
	v55 =	vand.u32 $0x7F, v30;
	[tilespmem:v18+s11+$0x0] =	vst.idx.msk $0xffff, v47  }
0x88: {  	v58 =	vand.u32 $0xFFFFFF80, v2;
	v59 =	vand.u32 $0x7F, v2;
	v57 =	vor.u32 v55, v15;
	[tilespmem:v45+s12+$0x0] =	vst.idx.msk $0xffff, v5  }
0x89: {  	v56 =	vmul.f32 v34, v56;
	v15 =	vadd.s32 v12, v58;
	[tilespmem:v48+s11+$0x0] =	vst.idx.msk $0xffff, v3;
	v3 =	vor.u32 $0x6, v12  }
0x8a: {  	s16 =	sadd.s32 $0x1, s16;
	v60 =	vor.u32 v59, v15;
	[tilespmem:v50+s12+$0x0] =	vst.idx.msk $0xffff, v8  }
0x8b: {  	p0 =	sne.s32 s16, $0x10;
	v62 =	vor.u32 $0x7, v12;
	v61 =	vmul.f32 v34, v23;
	[tilespmem:v52+s11+$0x0] =	vst.idx.msk $0xffff, v56  }
.Ltmp2:
0x8c: {  	[tilespmem:v54+s12+$0x0] =	vst.idx.msk $0xffff, v7;
	(pc) =	sbr.rel @p0 .LBB2_4-.Ltmp2, $4  }
0x8d: {  	v63 =	vmul.f32 v34, v16;
	[tilespmem:v57+s11+$0x0] =	vst.idx.msk $0xffff, v61  }
0x8e: {  	[tilespmem:v3+s12+$0x0] =	vst.idx.msk $0xffff, v30  }
0x8f: {  	[tilespmem:v60+s11+$0x0] =	vst.idx.msk $0xffff, v63  }
0x90: {  	[tilespmem:v62+s12+$0x0] =	vst.idx.msk $0xffff, v2  }
0x91: {  	s16 =	simm.s32 $0x0  }
0x92: {  	v3 =	vld [tilespmem:s16+$0x4030]  }
0x93: {  	v4 =	vld [tilespmem:s16+$0x4000]  }
0x94: {  	v2 =	vimm.f32 $0.0e+00;
	v5 =	vld [tilespmem:s16+$0x4010]  }
0x95: {  	s15 =	simm.s32 $0x200;
	v7 =	vimm.f32 $0.0e+00;
	v8 =	vimm.f32 $0.0e+00;
	v9 =	vimm.f32 $0.0e+00;
	v6 =	vld [tilespmem:s16+$0x4020]  }
.LBB2_8:
0x96: {  	p0 =	sne.s32 s15, $0x1FE00  }
.Ltmp3:
0x97: {  	s16 =	sshra.s32 s15, $0x2;
	s15 =	sadd.s32 $0x200, s15;
	v2 =	vadd.f32 v3, v2;
	(pc) =	sbr.rel @p0 .LBB2_8-.Ltmp3, $4  }
0x98: {  	v3 =	vld [tilespmem:s16+$0x4030];
	v7 =	vadd.f32 v4, v7  }
0x99: {  	v4 =	vld [tilespmem:s16+$0x4000];
	v8 =	vadd.f32 v5, v8  }
0x9a: {  	v5 =	vld [tilespmem:s16+$0x4010];
	v9 =	vadd.f32 v6, v9  }
0x9b: {  	v6 =	vld [tilespmem:s16+$0x4020]  }
0x9c: {  	_ = 	snop  }
0x9d: {  	v2 =	vadd.f32 v3, v2  }
0x9e: {  	v4 =	vadd.f32 v4, v7  }
0x9f: {  	v5 =	vadd.f32 v5, v8;
	[tilespmem:$0x14030] =	vst v2  }
0xa0: {  	v6 =	vadd.f32 v6, v9;
	[tilespmem:$0x14000] =	vst v4  }
0xa1: {  	[tilespmem:$0x14010] =	vst v5  }
0xa2: {  	[tilespmem:$0x14020] =	vst v6  }
0xa3: {  	[hbm4b:s4+s2] =	stream.linear.scatter [tilespmem:s11], [sflag:$0x1], $0x8000, $0x38;
	[tilespmem:$0x14080] =	vst v63  }
0xa4: {  	_ =	swait.ge [sflag:s10], $0x8000  }
0xa5: {  	[sflag:s10] =	ssyncset.done $0x0  }
0xa6: {  	[sflag:s10] =	ssyncadd.s32 $0xFFFF8000  }
0xa7: {  	[hbm4b:s5+s2] =	stream.linear.scatter [tilespmem:s12], [sflag:$0x1], $0x8000, $0x38;
	[tilespmem:$0x14080] =	vst v63  }
0xa8: {  	s14 =	sadd.s32 $0x1, s14;
	_ =	swait.ge [sflag:s10], $0x8000  }
0xa9: {  	p0 =	sne.s32 s14, s7;
	[sflag:s10] =	ssyncset.done $0x0  }
.Ltmp4:
0xaa: {  	[sflag:s10] =	ssyncadd.s32 $0xFFFF8000;
	(pc) =	sbr.rel @p0 .LBB2_1-.Ltmp4, $4  }
0xab: {  	[hbm4b:s6+s2] =	stream.linear.scatter [tilespmem:s13], [sflag:$0x1], $0x80, $0x38;
	[tilespmem:$0x14080] =	vst v63  }
0xac: {  	_ =	swait.ge [sflag:s10], $0x80  }
0xad: {  	[sflag:s10] =	ssyncset.done $0x0  }
0xae: {  	[sflag:s10] =	ssyncadd.s32 $0xFFFFFF80  }
0xaf: {  	_ =	sfence.sel $0x180000  }
0xb0: {  	[bflag:$0x0] =	sbarrier.arrive $0xFFFF  }
0xb1: {  	p0 =	sne.s32 s1, $0x0;
	_ =	strace $0x90000047  }
0xb2: {  	s0 =	sadd.s32 @!p0 $0x100000, s0;
	[bflag:$0x2] =	sbarrier.arrive $0xFFFF  }
0xb3: {  	[sflag:s0] =	ssyncadd.tile.s32 @!p0 $0x1;
	_ =	shalt  }
.Lfunc_end2:
_tile_overlayer_lowered:
.L_overlay_start_2:
0xb4: {  	(tag) =	ssettag $0x2  }
0xb5: {  	s0 =	rddreg [dreg:$0x0];
	s2 =	stileid.u32  }
0xb6: {  	s1 =	rddreg [dreg:$0x1];
	p0 =	sne.s32 s2, $0x0  }
0xb7: {  	s3 =	rddreg [dreg:$0x2];
	[bflag:$0x3] =	sbarrier.arrive $0xFFFF;
	s2 =	simm.s32 @!p0 $0x1C01  }
0xb8: {  	[timem:s3], [sflag:s2] =	dma.local @!p0 [hbm:s0], s1  }
0xb9: {  	s0 =	simm.s32 @!p0 $0x1  }
0xba: {  	_ =	swait.ge @!p0 [sflag:s0], s1  }
0xbb: {  	s1 =	ssub.s32 @!p0 $0x0, s1;
	[sflag:s0] =	ssyncset.done @!p0 $0x0  }
0xbc: {  	[sflag:s0] =	ssyncadd.s32 @!p0 s1  }
0xbd: {  	[bflag:$0x3] =	sbarrier.arrive $0xFFFF  }
0xbe: {  	_ =	shalt  }

</sc_bundles>
